<compile_context>
chip_gen: v7x
topology: tpu7x:2x2x1
jax: 0.10.2.dev20260603
libtpu: 0.0.44.dev20260713+nightly
codegen_flags: <defaults>
</compile_context>

<pallas_src>
import math

import jax
import jax.numpy as jnp
import numpy as np
from jax.experimental import pallas as pl
from jax.experimental.pallas import tpu as pltpu

_W = 128
_THETA_LOG2 = 16.0
_TWO_PI = 2.0 * math.pi


def _rope_tables(t, hd):
    d = np.arange(hd)
    q = (d // 2) * 2
    freqs = (2.0 ** (-(_THETA_LOG2 / hd) * q)) / _TWO_PI
    phases = np.arange(t)[:, None] * freqs[None, :]
    ph = (phases % 1.0) * _TWO_PI
    return (np.cos(ph).astype(np.float32), np.sin(ph).astype(np.float32))


def _rot_matrix(hd):
    r = jax.lax.broadcasted_iota(jnp.int32, (hd, hd), 0)
    c = jax.lax.broadcasted_iota(jnp.int32, (hd, hd), 1)
    c_even = (c % 2) == 0
    m = jnp.where((r == c + 1) & c_even, -1.0, 0.0)
    m = jnp.where((r == c - 1) & ~c_even, 1.0, m)
    return m.astype(jnp.float32)


def _dot_nt(a, b):
    return jax.lax.dot_general(
        a, b, (((1,), (1,)), ((), ())), preferred_element_type=jnp.float32)


def _dot_nn(a, b):
    return jax.lax.dot_general(
        a, b, (((1,), (0,)), ((), ())), preferred_element_type=jnp.float32)


def _attn_kernel(q_ref, v_ref, cos_ref, sin_ref, o_ref, mband_ref):
    t = q_ref.shape[1]
    hd = q_ref.shape[-1]

    @pl.when(pl.program_id(0) == 0)
    def _():
        iqb = jax.lax.broadcasted_iota(jnp.int32, (_W, 2 * _W), 0)
        jb = jax.lax.broadcasted_iota(jnp.int32, (_W, 2 * _W), 1)
        mband_ref[...] = ((jb >= iqb) & (jb < iqb + _W)).astype(jnp.bfloat16)

    qblk = q_ref[0]
    qrot = jnp.dot(qblk, _rot_matrix(hd), preferred_element_type=jnp.float32)
    qr = qblk * cos_ref[...] + qrot * sin_ref[...]
    qr_bf = qr.astype(jnp.bfloat16)
    v_bf = v_ref[0].astype(jnp.bfloat16)

    q0 = qr_bf[0:_W]
    s0 = _dot_nt(q0, q0).astype(jnp.bfloat16) * mband_ref[:, _W:]
    o_ref[0, 0:_W] = _dot_nn(s0, v_bf[0:_W])

    for j in range(1, t // _W):
        qj = qr_bf[j * _W:(j + 1) * _W]
        keys = qr_bf[(j - 1) * _W:(j + 1) * _W]
        vj = v_bf[(j - 1) * _W:(j + 1) * _W]
        s = _dot_nt(qj, keys).astype(jnp.bfloat16) * mband_ref[...]
        o_ref[0, j * _W:(j + 1) * _W] = _dot_nn(s, vj)


def kernel(Q, K, V):
    del K
    b, nh, t, hd = Q.shape
    cos_np, sin_np = _rope_tables(t, hd)
    cos_tab = jnp.asarray(cos_np)
    sin_tab = jnp.asarray(sin_np)
    bh = b * nh
    q = Q.reshape(bh, t, hd)
    v = V.reshape(bh, t, hd)
    out = pl.pallas_call(
        _attn_kernel,
        grid=(bh,),
        in_specs=[
            pl.BlockSpec((1, t, hd), lambda b_: (b_, 0, 0)),
            pl.BlockSpec((1, t, hd), lambda b_: (b_, 0, 0)),
            pl.BlockSpec((t, hd), lambda b_: (0, 0)),
            pl.BlockSpec((t, hd), lambda b_: (0, 0)),
        ],
        out_specs=pl.BlockSpec((1, t, hd), lambda b_: (b_, 0, 0)),
        out_shape=jax.ShapeDtypeStruct((bh, t, hd), jnp.float32),
        scratch_shapes=[
            pltpu.VMEM((_W, 2 * _W), jnp.bfloat16),
        ],
        compiler_params=pltpu.CompilerParams(
            dimension_semantics=("arbitrary",),
        ),
    )(q, v, cos_tab, sin_tab)
    return out.reshape(b, nh, t, hd)

# --- scband reference (transcript-rebuilt; emitter-appended) ---
"""Pipeline reference for scband-attention-6313601925220 (READ-ONLY COPY).

The authoritative reference and input builder live on the scoring server;
editing this copy changes nothing except your own understanding.
"""

import math
import jax, jax.numpy as jnp
import numpy as np

B, NH, T, HD = 2, 16, 8192, 64
ATTN_WINDOW = 128
THETA = 2 ** 16


def get_freqs(n):
    t = jnp.arange(0, n, 1, dtype=jnp.float32)
    q = jnp.floor(t / 2.0) * 2.0
    return 1.0 / (THETA ** (q / n)) / (2.0 * math.pi)


def rope(phases, v):
    v_rot = jnp.stack([-v[..., 1::2], v[..., ::2]], axis=-1).reshape(v.shape)
    ph = (phases % 1.0) * (2.0 * math.pi)
    return (v * jnp.cos(ph)) + (v_rot * jnp.sin(ph))


def setup_inputs(seed: int = 0):
    key = jax.random.key(seed)
    k1, k2 = jax.random.split(key)
    Q = jax.random.normal(k1, (B, NH, T, HD), dtype=jnp.float32)
    V = jax.random.normal(k2, (B, NH, T, HD), dtype=jnp.float32)
    # torch forward asserts K is Q, so K is the same tensor as Q
    return {"Q": Q, "K": Q, "V": V}


def _forward(Q, V):
    freqs = get_freqs(HD).reshape(1, 1, 1, HD)
    r_phases = jnp.arange(0, T, dtype=jnp.float32).reshape(1, 1, -1, 1) * freqs
    QR = rope(r_phases, Q)
    KR = QR  # K is Q in the torch module
    positions = jnp.arange(T)
    block = min(ATTN_WINDOW, T)
    outs = []
    for start in range(0, T, block):
        end = min(start + block, T)
        k_start = max(0, start - ATTN_WINDOW)
        q = QR[:, :, start:end, :]
        k = KR[:, :, k_start:end, :]
        v = V[:, :, k_start:end, :]
        scores = jnp.einsum('bhqd,bhkd->bhqk', q, k)
        q_pos = positions[start:end].reshape(-1, 1)
        k_pos = positions[k_start:end].reshape(1, -1)
        mask = (k_pos < q_pos) & (k_pos >= q_pos - ATTN_WINDOW)
        scores = scores * mask
        outs.append(jnp.einsum('bhqk,bhkd->bhqd', scores, v))
    return jnp.concatenate(outs, axis=2)


def reference(Q, K, V):
    # K must alias Q (assert K is Q in torch); KR = rope(Q)
    return _forward(Q, V)

if __name__ == "__main__":
    import jax
    _d = setup_inputs()
    print(jax.jit(kernel)(*tuple(_d.values())))

</pallas_src>

<mosaic_0001>
module attributes {stable_mosaic.version = 14 : i64} {
  func.func @_attn_kernel(%arg0: i32, %arg1: memref<1x8192x64xf32, #tpu.memory_space<vmem>>, %arg2: memref<1x8192x64xf32, #tpu.memory_space<vmem>>, %arg3: memref<8192x64xf32, #tpu.memory_space<vmem>>, %arg4: memref<8192x64xf32, #tpu.memory_space<vmem>>, %arg5: memref<1x8192x64xf32, #tpu.memory_space<vmem>>, %arg6: memref<128x256xbf16, #tpu.memory_space<vmem>>) attributes {dimension_semantics = [#tpu.dimension_semantics<arbitrary>], iteration_bounds = array<i64: 32>, scalar_prefetch = 0 : i64, scratch_operands = 1 : i64, tpu.core_type = #tpu.core_type<tc>, window_params = [{transform_indices = @transform_0, window_bounds = array<i64: 1, 8192, 64>}, {transform_indices = @transform_1, window_bounds = array<i64: 1, 8192, 64>}, {pipeline_mode = #tpu.pipeline_mode<synchronous>, transform_indices = @transform_2, window_bounds = array<i64: 8192, 64>}, {pipeline_mode = #tpu.pipeline_mode<synchronous>, transform_indices = @transform_3, window_bounds = array<i64: 8192, 64>}, {transform_indices = @transform_4, window_bounds = array<i64: 1, 8192, 64>}]} {
    %eq3A = arith.constant 0 : i32
    %eq3A_0 = arith.cmpi eq, %arg0, %eq3A : i32
    %convert_element_type3A = arith.extui %eq3A_0 : i1 to i32
    %cond3A = arith.constant 0 : i32
    %cond3A_1 = arith.cmpi ne, %convert_element_type3A, %cond3A : i32
    scf.if %cond3A_1 {
      %iota3A_1207 = tpu.iota {dimensions = array<i32: 0>} : vector<128x256xi32>
      %iota3A_1208 = tpu.iota {dimensions = array<i32: 1>} : vector<128x256xi32>
      %ge3A = arith.cmpi sge, %iota3A_1208, %iota3A_1207 : vector<128x256xi32>
      %add3A_1209 = arith.constant 128 : i32
      %add3A_1210 = vector.broadcast %add3A_1209 : i32 to vector<128x256xi32>
      %add3A_1211 = arith.addi %iota3A_1207, %add3A_1210 : vector<128x256xi32>
      %lt3A_1212 = arith.cmpi slt, %iota3A_1208, %add3A_1211 : vector<128x256xi32>
      %and3A_1213 = arith.andi %ge3A, %lt3A_1212 : vector<128x256xi1>
      %convert_element_type3A_1214 = arith.extui %and3A_1213 : vector<128x256xi1> to vector<128x256xi32>
      %convert_element_type3A_1215 = arith.sitofp %convert_element_type3A_1214 : vector<128x256xi32> to vector<128x256xf32>
      %convert_element_type3A_1216 = arith.truncf %convert_element_type3A_1215 : vector<128x256xf32> to vector<128x256xbf16>
      %swap3A_1217 = arith.constant 0 : index
      %swap3A_1218 = arith.constant 0 : index
      %swap3A_1219 = vector.load %arg6[%swap3A_1217, %swap3A_1218] : memref<128x256xbf16, #tpu.memory_space<vmem>>, vector<128x256xbf16>
      tpu.vector_store %arg6[%swap3A_1217, %swap3A_1218], %convert_element_type3A_1216 {strides = array<i32>} : memref<128x256xbf16, #tpu.memory_space<vmem>>, vector<128x256xbf16>,
    } else {
    }
    %get3A = arith.constant 0 : index
    %get3A_2 = arith.constant 0 : index
    %get3A_3 = arith.constant 0 : index
    %get3A_4 = vector.load %arg1[%get3A, %get3A_2, %get3A_3] : memref<1x8192x64xf32, #tpu.memory_space<vmem>>, vector<1x8192x64xf32>
    %get3A_5 = vector.shape_cast %get3A_4 : vector<1x8192x64xf32> to vector<8192x64xf32>
    %iota3A = tpu.iota {dimensions = array<i32: 0>} : vector<64x64xi32>
    %iota3A_6 = tpu.iota {dimensions = array<i32: 1>} : vector<64x64xi32>
    %jit3A = arith.constant 2 : i32
    %eq3A_7 = arith.constant 0 : i32
    %eq3A_8 = arith.cmpi eq, %jit3A, %eq3A_7 : i32
    %jit3A_9 = arith.constant 1 : i32
    %select_n3A = arith.select %eq3A_8, %jit3A_9, %jit3A : i32
    %rem3A = vector.broadcast %select_n3A : i32 to vector<64x64xi32>
    %rem3A_10 = arith.remsi %iota3A_6, %rem3A : vector<64x64xi32>
    %ne3A = arith.constant 0 : i32
    %ne3A_11 = vector.broadcast %ne3A : i32 to vector<64x64xi32>
    %ne3A_12 = arith.cmpi ne, %rem3A_10, %ne3A_11 : vector<64x64xi32>
    %lt3A = arith.constant 0 : i32
    %lt3A_13 = vector.broadcast %lt3A : i32 to vector<64x64xi32>
    %lt3A_14 = arith.cmpi slt, %rem3A_10, %lt3A_13 : vector<64x64xi32>
    %lt3A_15 = arith.constant 0 : i32
    %lt3A_16 = arith.cmpi slt, %select_n3A, %lt3A_15 : i32
    %ne3A_17 = vector.broadcast %lt3A_16 : i1 to vector<64x64xi1>
    %ne3A_18 = vector.broadcast %ne3A_17 : vector<64x64xi1> to vector<64x64xi1>
    %ne3A_19 = arith.xori %lt3A_14, %ne3A_18 : vector<64x64xi1>
    %and3A = arith.andi %ne3A_19, %ne3A_12 : vector<64x64xi1>
    %add3A = vector.broadcast %select_n3A : i32 to vector<64x64xi32>
    %add3A_20 = arith.addi %rem3A_10, %add3A : vector<64x64xi32>
    %select_n3A_21 = arith.select %and3A, %add3A_20, %rem3A_10 : vector<64x64xi1>, vector<64x64xi32>
    %eq3A_22 = arith.constant 0 : i32
    %eq3A_23 = vector.broadcast %eq3A_22 : i32 to vector<64x64xi32>
    %eq3A_24 = arith.cmpi eq, %select_n3A_21, %eq3A_23 : vector<64x64xi32>
    %add3A_25 = arith.constant 1 : i32
    %add3A_26 = vector.broadcast %add3A_25 : i32 to vector<64x64xi32>
    %add3A_27 = arith.addi %iota3A_6, %add3A_26 : vector<64x64xi32>
    %eq3A_28 = arith.cmpi eq, %iota3A, %add3A_27 : vector<64x64xi32>
    %and3A_29 = arith.andi %eq3A_28, %eq3A_24 : vector<64x64xi1>
    %jit3A_30 = arith.constant -1.000000e+00 : f32
    %jit3A_31 = arith.constant 0.000000e+00 : f32
    %broadcast_in_dim3A = vector.broadcast %jit3A_30 : f32 to vector<64x64xf32>
    %broadcast_in_dim3A_32 = vector.broadcast %jit3A_31 : f32 to vector<64x64xf32>
    %select_n3A_33 = arith.select %and3A_29, %broadcast_in_dim3A, %broadcast_in_dim3A_32 : vector<64x64xi1>, vector<64x64xf32>
    %sub3A = arith.constant 1 : i32
    %sub3A_34 = vector.broadcast %sub3A : i32 to vector<64x64xi32>
    %sub3A_35 = arith.subi %iota3A_6, %sub3A_34 : vector<64x64xi32>
    %eq3A_36 = arith.cmpi eq, %iota3A, %sub3A_35 : vector<64x64xi32>
    %not3A = arith.constant dense<true> : vector<64x64xi1>
    %not3A_37 = arith.xori %eq3A_24, %not3A : vector<64x64xi1>
    %and3A_38 = arith.andi %eq3A_36, %not3A_37 : vector<64x64xi1>
    %jit3A_39 = arith.constant 1.000000e+00 : f32
    %broadcast_in_dim3A_40 = vector.broadcast %jit3A_39 : f32 to vector<64x64xf32>
    %select_n3A_41 = arith.select %and3A_38, %broadcast_in_dim3A_40, %select_n3A_33 : vector<64x64xi1>, vector<64x64xf32>
    %dot_general3A = arith.constant dense<0.000000e+00> : vector<8192x64xf32>
    %dot_general3A_42 = tpu.matmul %get3A_5, %select_n3A_41, %dot_general3A {dimension_numbers = #tpu.dot_dimension_numbers<[1], [0], [0], [1], [0, 0, 1, 1], [], []>, transpose_lhs_hint = false} : vector<8192x64xf32>, vector<64x64xf32>, vector<8192x64xf32> -> vector<8192x64xf32>
    %get3A_43 = arith.constant 0 : index
    %get3A_44 = arith.constant 0 : index
    %get3A_45 = vector.load %arg3[%get3A_43, %get3A_44] : memref<8192x64xf32, #tpu.memory_space<vmem>>, vector<8192x64xf32>
    %mul3A = arith.mulf %get3A_5, %get3A_45 : vector<8192x64xf32>
    %get3A_46 = arith.constant 0 : index
    %get3A_47 = arith.constant 0 : index
    %get3A_48 = vector.load %arg4[%get3A_46, %get3A_47] : memref<8192x64xf32, #tpu.memory_space<vmem>>, vector<8192x64xf32>
    %mul3A_49 = arith.mulf %dot_general3A_42, %get3A_48 : vector<8192x64xf32>
    %add3A_50 = arith.addf %mul3A, %mul3A_49 : vector<8192x64xf32>
    %convert_element_type3A_51 = arith.truncf %add3A_50 : vector<8192x64xf32> to vector<8192x64xbf16>
    %get3A_52 = arith.constant 0 : index
    %get3A_53 = arith.constant 0 : index
    %get3A_54 = arith.constant 0 : index
    %get3A_55 = vector.load %arg2[%get3A_52, %get3A_53, %get3A_54] : memref<1x8192x64xf32, #tpu.memory_space<vmem>>, vector<1x8192x64xf32>
    %get3A_56 = vector.shape_cast %get3A_55 : vector<1x8192x64xf32> to vector<8192x64xf32>
    %convert_element_type3A_57 = arith.truncf %get3A_56 : vector<8192x64xf32> to vector<8192x64xbf16>
    %slice3A = vector.extract_strided_slice %convert_element_type3A_51 {offsets = [0, 0], sizes = [128, 64], strides = [1, 1]} : vector<8192x64xbf16> to vector<128x64xbf16>
    %dot_general3A_58 = arith.constant dense<0.000000e+00> : vector<128x128xf32>
    %dot_general3A_59 = tpu.matmul %slice3A, %slice3A, %dot_general3A_58 {dimension_numbers = #tpu.dot_dimension_numbers<[1], [1], [0], [0], [0, 0, 1, 0], [], []>, transpose_lhs_hint = false} : vector<128x64xbf16>, vector<128x64xbf16>, vector<128x128xf32> -> vector<128x128xf32>
    %convert_element_type3A_60 = arith.truncf %dot_general3A_59 : vector<128x128xf32> to vector<128x128xbf16>
    %get3A_61 = arith.constant 0 : index
    %get3A_62 = arith.constant 128 : index
    %get3A_63 = vector.load %arg6[%get3A_61, %get3A_62] : memref<128x256xbf16, #tpu.memory_space<vmem>>, vector<128x128xbf16>
    %mul3A_64 = arith.mulf %convert_element_type3A_60, %get3A_63 : vector<128x128xbf16>
    %slice3A_65 = vector.extract_strided_slice %convert_element_type3A_57 {offsets = [0, 0], sizes = [128, 64], strides = [1, 1]} : vector<8192x64xbf16> to vector<128x64xbf16>
    %dot_general3A_66 = arith.constant dense<0.000000e+00> : vector<128x64xf32>
    %dot_general3A_67 = tpu.matmul %mul3A_64, %slice3A_65, %dot_general3A_66 {dimension_numbers = #tpu.dot_dimension_numbers<[1], [0], [0], [1], [0, 0, 1, 1], [], []>, transpose_lhs_hint = false} : vector<128x128xbf16>, vector<128x64xbf16>, vector<128x64xf32> -> vector<128x64xf32>
    %swap3A = arith.constant 0 : index
    %swap3A_68 = arith.constant 0 : index
    %swap3A_69 = arith.constant 0 : index
    %swap3A_70 = vector.load %arg5[%swap3A, %swap3A_68, %swap3A_69] : memref<1x8192x64xf32, #tpu.memory_space<vmem>>, vector<1x128x64xf32>
    %swap3A_71 = vector.shape_cast %swap3A_70 : vector<1x128x64xf32> to vector<128x64xf32>
    %swap3A_72 = vector.shape_cast %dot_general3A_67 : vector<128x64xf32> to vector<1x128x64xf32>
    tpu.vector_store %arg5[%swap3A, %swap3A_68, %swap3A_69], %swap3A_72 {strides = array<i32>} : memref<1x8192x64xf32, #tpu.memory_space<vmem>>, vector<1x128x64xf32>,
    %slice3A_73 = vector.extract_strided_slice %convert_element_type3A_51 {offsets = [128, 0], sizes = [128, 64], strides = [1, 1]} : vector<8192x64xbf16> to vector<128x64xbf16>
    %slice3A_74 = vector.extract_strided_slice %convert_element_type3A_51 {offsets = [0, 0], sizes = [256, 64], strides = [1, 1]} : vector<8192x64xbf16> to vector<256x64xbf16>
    %slice3A_75 = vector.extract_strided_slice %convert_element_type3A_57 {offsets = [0, 0], sizes = [256, 64], strides = [1, 1]} : vector<8192x64xbf16> to vector<256x64xbf16>
    %dot_general3A_76 = arith.constant dense<0.000000e+00> : vector<128x256xf32>
    %dot_general3A_77 = tpu.matmul %slice3A_73, %slice3A_74, %dot_general3A_76 {dimension_numbers = #tpu.dot_dimension_numbers<[1], [1], [0], [0], [0, 0, 1, 0], [], []>, transpose_lhs_hint = false} : vector<128x64xbf16>, vector<256x64xbf16>, vector<128x256xf32> -> vector<128x256xf32>
    %convert_element_type3A_78 = arith.truncf %dot_general3A_77 : vector<128x256xf32> to vector<128x256xbf16>
    %get3A_79 = arith.constant 0 : index
    %get3A_80 = arith.constant 0 : index
    %get3A_81 = vector.load %arg6[%get3A_79, %get3A_80] : memref<128x256xbf16, #tpu.memory_space<vmem>>, vector<128x256xbf16>
    %mul3A_82 = arith.mulf %convert_element_type3A_78, %get3A_81 : vector<128x256xbf16>
    %dot_general3A_83 = arith.constant dense<0.000000e+00> : vector<128x64xf32>
    %dot_general3A_84 = tpu.matmul %mul3A_82, %slice3A_75, %dot_general3A_83 {dimension_numbers = #tpu.dot_dimension_numbers<[1], [0], [0], [1], [0, 0, 1, 1], [], []>, transpose_lhs_hint = false} : vector<128x256xbf16>, vector<256x64xbf16>, vector<128x64xf32> -> vector<128x64xf32>
    %swap3A_85 = arith.constant 0 : index
    %swap3A_86 = arith.constant 128 : index
    %swap3A_87 = arith.constant 0 : index
    %swap3A_88 = vector.load %arg5[%swap3A_85, %swap3A_86, %swap3A_87] : memref<1x8192x64xf32, #tpu.memory_space<vmem>>, vector<1x128x64xf32>
    %swap3A_89 = vector.shape_cast %swap3A_88 : vector<1x128x64xf32> to vector<128x64xf32>
    %swap3A_90 = vector.shape_cast %dot_general3A_84 : vector<128x64xf32> to vector<1x128x64xf32>
    tpu.vector_store %arg5[%swap3A_85, %swap3A_86, %swap3A_87], %swap3A_90 {strides = array<i32>} : memref<1x8192x64xf32, #tpu.memory_space<vmem>>, vector<1x128x64xf32>,
    %slice3A_91 = vector.extract_strided_slice %convert_element_type3A_51 {offsets = [256, 0], sizes = [128, 64], strides = [1, 1]} : vector<8192x64xbf16> to vector<128x64xbf16>
    %slice3A_92 = vector.extract_strided_slice %convert_element_type3A_51 {offsets = [128, 0], sizes = [256, 64], strides = [1, 1]} : vector<8192x64xbf16> to vector<256x64xbf16>
    %slice3A_93 = vector.extract_strided_slice %convert_element_type3A_57 {offsets = [128, 0], sizes = [256, 64], strides = [1, 1]} : vector<8192x64xbf16> to vector<256x64xbf16>
    %dot_general3A_94 = arith.constant dense<0.000000e+00> : vector<128x256xf32>
    %dot_general3A_95 = tpu.matmul %slice3A_91, %slice3A_92, %dot_general3A_94 {dimension_numbers = #tpu.dot_dimension_numbers<[1], [1], [0], [0], [0, 0, 1, 0], [], []>, transpose_lhs_hint = false} : vector<128x64xbf16>, vector<256x64xbf16>, vector<128x256xf32> -> vector<128x256xf32>
    %convert_element_type3A_96 = arith.truncf %dot_general3A_95 : vector<128x256xf32> to vector<128x256xbf16>
    %get3A_97 = arith.constant 0 : index
    %get3A_98 = arith.constant 0 : index
    %get3A_99 = vector.load %arg6[%get3A_97, %get3A_98] : memref<128x256xbf16, #tpu.memory_space<vmem>>, vector<128x256xbf16>
    %mul3A_100 = arith.mulf %convert_element_type3A_96, %get3A_99 : vector<128x256xbf16>
    %dot_general3A_101 = arith.constant dense<0.000000e+00> : vector<128x64xf32>
    %dot_general3A_102 = tpu.matmul %mul3A_100, %slice3A_93, %dot_general3A_101 {dimension_numbers = #tpu.dot_dimension_numbers<[1], [0], [0], [1], [0, 0, 1, 1], [], []>, transpose_lhs_hint = false} : vector<128x256xbf16>, vector<256x64xbf16>, vector<128x64xf32> -> vector<128x64xf32>
    %swap3A_103 = arith.constant 0 : index
    %swap3A_104 = arith.constant 256 : index
    %swap3A_105 = arith.constant 0 : index
    %swap3A_106 = vector.load %arg5[%swap3A_103, %swap3A_104, %swap3A_105] : memref<1x8192x64xf32, #tpu.memory_space<vmem>>, vector<1x128x64xf32>
    %swap3A_107 = vector.shape_cast %swap3A_106 : vector<1x128x64xf32> to vector<128x64xf32>
    %swap3A_108 = vector.shape_cast %dot_general3A_102 : vector<128x64xf32> to vector<1x128x64xf32>
    tpu.vector_store %arg5[%swap3A_103, %swap3A_104, %swap3A_105], %swap3A_108 {strides = array<i32>} : memref<1x8192x64xf32, #tpu.memory_space<vmem>>, vector<1x128x64xf32>,
    %slice3A_109 = vector.extract_strided_slice %convert_element_type3A_51 {offsets = [384, 0], sizes = [128, 64], strides = [1, 1]} : vector<8192x64xbf16> to vector<128x64xbf16>
    %slice3A_110 = vector.extract_strided_slice %convert_element_type3A_51 {offsets = [256, 0], sizes = [256, 64], strides = [1, 1]} : vector<8192x64xbf16> to vector<256x64xbf16>
    %slice3A_111 = vector.extract_strided_slice %convert_element_type3A_57 {offsets = [256, 0], sizes = [256, 64], strides = [1, 1]} : vector<8192x64xbf16> to vector<256x64xbf16>
    %dot_general3A_112 = arith.constant dense<0.000000e+00> : vector<128x256xf32>
    %dot_general3A_113 = tpu.matmul %slice3A_109, %slice3A_110, %dot_general3A_112 {dimension_numbers = #tpu.dot_dimension_numbers<[1], [1], [0], [0], [0, 0, 1, 0], [], []>, transpose_lhs_hint = false} : vector<128x64xbf16>, vector<256x64xbf16>, vector<128x256xf32> -> vector<128x256xf32>
    %convert_element_type3A_114 = arith.truncf %dot_general3A_113 : vector<128x256xf32> to vector<128x256xbf16>
    %get3A_115 = arith.constant 0 : index
    %get3A_116 = arith.constant 0 : index
    %get3A_117 = vector.load %arg6[%get3A_115, %get3A_116] : memref<128x256xbf16, #tpu.memory_space<vmem>>, vector<128x256xbf16>
    %mul3A_118 = arith.mulf %convert_element_type3A_114, %get3A_117 : vector<128x256xbf16>
    %dot_general3A_119 = arith.constant dense<0.000000e+00> : vector<128x64xf32>
    %dot_general3A_120 = tpu.matmul %mul3A_118, %slice3A_111, %dot_general3A_119 {dimension_numbers = #tpu.dot_dimension_numbers<[1], [0], [0], [1], [0, 0, 1, 1], [], []>, transpose_lhs_hint = false} : vector<128x256xbf16>, vector<256x64xbf16>, vector<128x64xf32> -> vector<128x64xf32>
    %swap3A_121 = arith.constant 0 : index
    %swap3A_122 = arith.constant 384 : index
    %swap3A_123 = arith.constant 0 : index
    %swap3A_124 = vector.load %arg5[%swap3A_121, %swap3A_122, %swap3A_123] : memref<1x8192x64xf32, #tpu.memory_space<vmem>>, vector<1x128x64xf32>
    %swap3A_125 = vector.shape_cast %swap3A_124 : vector<1x128x64xf32> to vector<128x64xf32>
    %swap3A_126 = vector.shape_cast %dot_general3A_120 : vector<128x64xf32> to vector<1x128x64xf32>
    tpu.vector_store %arg5[%swap3A_121, %swap3A_122, %swap3A_123], %swap3A_126 {strides = array<i32>} : memref<1x8192x64xf32, #tpu.memory_space<vmem>>, vector<1x128x64xf32>,
    %slice3A_127 = vector.extract_strided_slice %convert_element_type3A_51 {offsets = [512, 0], sizes = [128, 64], strides = [1, 1]} : vector<8192x64xbf16> to vector<128x64xbf16>
    %slice3A_128 = vector.extract_strided_slice %convert_element_type3A_51 {offsets = [384, 0], sizes = [256, 64], strides = [1, 1]} : vector<8192x64xbf16> to vector<256x64xbf16>
    %slice3A_129 = vector.extract_strided_slice %convert_element_type3A_57 {offsets = [384, 0], sizes = [256, 64], strides = [1, 1]} : vector<8192x64xbf16> to vector<256x64xbf16>
    %dot_general3A_130 = arith.constant dense<0.000000e+00> : vector<128x256xf32>
    %dot_general3A_131 = tpu.matmul %slice3A_127, %slice3A_128, %dot_general3A_130 {dimension_numbers = #tpu.dot_dimension_numbers<[1], [1], [0], [0], [0, 0, 1, 0], [], []>, transpose_lhs_hint = false} : vector<128x64xbf16>, vector<256x64xbf16>, vector<128x256xf32> -> vector<128x256xf32>
    %convert_element_type3A_132 = arith.truncf %dot_general3A_131 : vector<128x256xf32> to vector<128x256xbf16>
    %get3A_133 = arith.constant 0 : index
    %get3A_134 = arith.constant 0 : index
    %get3A_135 = vector.load %arg6[%get3A_133, %get3A_134] : memref<128x256xbf16, #tpu.memory_space<vmem>>, vector<128x256xbf16>
    %mul3A_136 = arith.mulf %convert_element_type3A_132, %get3A_135 : vector<128x256xbf16>
    %dot_general3A_137 = arith.constant dense<0.000000e+00> : vector<128x64xf32>
    %dot_general3A_138 = tpu.matmul %mul3A_136, %slice3A_129, %dot_general3A_137 {dimension_numbers = #tpu.dot_dimension_numbers<[1], [0], [0], [1], [0, 0, 1, 1], [], []>, transpose_lhs_hint = false} : vector<128x256xbf16>, vector<256x64xbf16>, vector<128x64xf32> -> vector<128x64xf32>
    %swap3A_139 = arith.constant 0 : index
    %swap3A_140 = arith.constant 512 : index
    %swap3A_141 = arith.constant 0 : index
    %swap3A_142 = vector.load %arg5[%swap3A_139, %swap3A_140, %swap3A_141] : memref<1x8192x64xf32, #tpu.memory_space<vmem>>, vector<1x128x64xf32>
    %swap3A_143 = vector.shape_cast %swap3A_142 : vector<1x128x64xf32> to vector<128x64xf32>
    %swap3A_144 = vector.shape_cast %dot_general3A_138 : vector<128x64xf32> to vector<1x128x64xf32>
    tpu.vector_store %arg5[%swap3A_139, %swap3A_140, %swap3A_141], %swap3A_144 {strides = array<i32>} : memref<1x8192x64xf32, #tpu.memory_space<vmem>>, vector<1x128x64xf32>,
    %slice3A_145 = vector.extract_strided_slice %convert_element_type3A_51 {offsets = [640, 0], sizes = [128, 64], strides = [1, 1]} : vector<8192x64xbf16> to vector<128x64xbf16>
    %slice3A_146 = vector.extract_strided_slice %convert_element_type3A_51 {offsets = [512, 0], sizes = [256, 64], strides = [1, 1]} : vector<8192x64xbf16> to vector<256x64xbf16>
    %slice3A_147 = vector.extract_strided_slice %convert_element_type3A_57 {offsets = [512, 0], sizes = [256, 64], strides = [1, 1]} : vector<8192x64xbf16> to vector<256x64xbf16>
    %dot_general3A_148 = arith.constant dense<0.000000e+00> : vector<128x256xf32>
    %dot_general3A_149 = tpu.matmul %slice3A_145, %slice3A_146, %dot_general3A_148 {dimension_numbers = #tpu.dot_dimension_numbers<[1], [1], [0], [0], [0, 0, 1, 0], [], []>, transpose_lhs_hint = false} : vector<128x64xbf16>, vector<256x64xbf16>, vector<128x256xf32> -> vector<128x256xf32>
    %convert_element_type3A_150 = arith.truncf %dot_general3A_149 : vector<128x256xf32> to vector<128x256xbf16>
    %get3A_151 = arith.constant 0 : index
    %get3A_152 = arith.constant 0 : index
    %get3A_153 = vector.load %arg6[%get3A_151, %get3A_152] : memref<128x256xbf16, #tpu.memory_space<vmem>>, vector<128x256xbf16>
    %mul3A_154 = arith.mulf %convert_element_type3A_150, %get3A_153 : vector<128x256xbf16>
    %dot_general3A_155 = arith.constant dense<0.000000e+00> : vector<128x64xf32>
    %dot_general3A_156 = tpu.matmul %mul3A_154, %slice3A_147, %dot_general3A_155 {dimension_numbers = #tpu.dot_dimension_numbers<[1], [0], [0], [1], [0, 0, 1, 1], [], []>, transpose_lhs_hint = false} : vector<128x256xbf16>, vector<256x64xbf16>, vector<128x64xf32> -> vector<128x64xf32>
    %swap3A_157 = arith.constant 0 : index
    %swap3A_158 = arith.constant 640 : index
    %swap3A_159 = arith.constant 0 : index
    %swap3A_160 = vector.load %arg5[%swap3A_157, %swap3A_158, %swap3A_159] : memref<1x8192x64xf32, #tpu.memory_space<vmem>>, vector<1x128x64xf32>
    %swap3A_161 = vector.shape_cast %swap3A_160 : vector<1x128x64xf32> to vector<128x64xf32>
    %swap3A_162 = vector.shape_cast %dot_general3A_156 : vector<128x64xf32> to vector<1x128x64xf32>
    tpu.vector_store %arg5[%swap3A_157, %swap3A_158, %swap3A_159], %swap3A_162 {strides = array<i32>} : memref<1x8192x64xf32, #tpu.memory_space<vmem>>, vector<1x128x64xf32>,
    %slice3A_163 = vector.extract_strided_slice %convert_element_type3A_51 {offsets = [768, 0], sizes = [128, 64], strides = [1, 1]} : vector<8192x64xbf16> to vector<128x64xbf16>
    %slice3A_164 = vector.extract_strided_slice %convert_element_type3A_51 {offsets = [640, 0], sizes = [256, 64], strides = [1, 1]} : vector<8192x64xbf16> to vector<256x64xbf16>
    %slice3A_165 = vector.extract_strided_slice %convert_element_type3A_57 {offsets = [640, 0], sizes = [256, 64], strides = [1, 1]} : vector<8192x64xbf16> to vector<256x64xbf16>
    %dot_general3A_166 = arith.constant dense<0.000000e+00> : vector<128x256xf32>
    %dot_general3A_167 = tpu.matmul %slice3A_163, %slice3A_164, %dot_general3A_166 {dimension_numbers = #tpu.dot_dimension_numbers<[1], [1], [0], [0], [0, 0, 1, 0], [], []>, transpose_lhs_hint = false} : vector<128x64xbf16>, vector<256x64xbf16>, vector<128x256xf32> -> vector<128x256xf32>
    %convert_element_type3A_168 = arith.truncf %dot_general3A_167 : vector<128x256xf32> to vector<128x256xbf16>
    %get3A_169 = arith.constant 0 : index
    %get3A_170 = arith.constant 0 : index
    %get3A_171 = vector.load %arg6[%get3A_169, %get3A_170] : memref<128x256xbf16, #tpu.memory_space<vmem>>, vector<128x256xbf16>
    %mul3A_172 = arith.mulf %convert_element_type3A_168, %get3A_171 : vector<128x256xbf16>
    %dot_general3A_173 = arith.constant dense<0.000000e+00> : vector<128x64xf32>
    %dot_general3A_174 = tpu.matmul %mul3A_172, %slice3A_165, %dot_general3A_173 {dimension_numbers = #tpu.dot_dimension_numbers<[1], [0], [0], [1], [0, 0, 1, 1], [], []>, transpose_lhs_hint = false} : vector<128x256xbf16>, vector<256x64xbf16>, vector<128x64xf32> -> vector<128x64xf32>
    %swap3A_175 = arith.constant 0 : index
    %swap3A_176 = arith.constant 768 : index
    %swap3A_177 = arith.constant 0 : index
    %swap3A_178 = vector.load %arg5[%swap3A_175, %swap3A_176, %swap3A_177] : memref<1x8192x64xf32, #tpu.memory_space<vmem>>, vector<1x128x64xf32>
    %swap3A_179 = vector.shape_cast %swap3A_178 : vector<1x128x64xf32> to vector<128x64xf32>
    %swap3A_180 = vector.shape_cast %dot_general3A_174 : vector<128x64xf32> to vector<1x128x64xf32>
    tpu.vector_store %arg5[%swap3A_175, %swap3A_176, %swap3A_177], %swap3A_180 {strides = array<i32>} : memref<1x8192x64xf32, #tpu.memory_space<vmem>>, vector<1x128x64xf32>,
    %slice3A_181 = vector.extract_strided_slice %convert_element_type3A_51 {offsets = [896, 0], sizes = [128, 64], strides = [1, 1]} : vector<8192x64xbf16> to vector<128x64xbf16>
    %slice3A_182 = vector.extract_strided_slice %convert_element_type3A_51 {offsets = [768, 0], sizes = [256, 64], strides = [1, 1]} : vector<8192x64xbf16> to vector<256x64xbf16>
    %slice3A_183 = vector.extract_strided_slice %convert_element_type3A_57 {offsets = [768, 0], sizes = [256, 64], strides = [1, 1]} : vector<8192x64xbf16> to vector<256x64xbf16>
    %dot_general3A_184 = arith.constant dense<0.000000e+00> : vector<128x256xf32>
    %dot_general3A_185 = tpu.matmul %slice3A_181, %slice3A_182, %dot_general3A_184 {dimension_numbers = #tpu.dot_dimension_numbers<[1], [1], [0], [0], [0, 0, 1, 0], [], []>, transpose_lhs_hint = false} : vector<128x64xbf16>, vector<256x64xbf16>, vector<128x256xf32> -> vector<128x256xf32>
    %convert_element_type3A_186 = arith.truncf %dot_general3A_185 : vector<128x256xf32> to vector<128x256xbf16>
    %get3A_187 = arith.constant 0 : index
    %get3A_188 = arith.constant 0 : index
    %get3A_189 = vector.load %arg6[%get3A_187, %get3A_188] : memref<128x256xbf16, #tpu.memory_space<vmem>>, vector<128x256xbf16>
    %mul3A_190 = arith.mulf %convert_element_type3A_186, %get3A_189 : vector<128x256xbf16>
    %dot_general3A_191 = arith.constant dense<0.000000e+00> : vector<128x64xf32>
    %dot_general3A_192 = tpu.matmul %mul3A_190, %slice3A_183, %dot_general3A_191 {dimension_numbers = #tpu.dot_dimension_numbers<[1], [0], [0], [1], [0, 0, 1, 1], [], []>, transpose_lhs_hint = false} : vector<128x256xbf16>, vector<256x64xbf16>, vector<128x64xf32> -> vector<128x64xf32>
    %swap3A_193 = arith.constant 0 : index
    %swap3A_194 = arith.constant 896 : index
    %swap3A_195 = arith.constant 0 : index
    %swap3A_196 = vector.load %arg5[%swap3A_193, %swap3A_194, %swap3A_195] : memref<1x8192x64xf32, #tpu.memory_space<vmem>>, vector<1x128x64xf32>
    %swap3A_197 = vector.shape_cast %swap3A_196 : vector<1x128x64xf32> to vector<128x64xf32>
    %swap3A_198 = vector.shape_cast %dot_general3A_192 : vector<128x64xf32> to vector<1x128x64xf32>
    tpu.vector_store %arg5[%swap3A_193, %swap3A_194, %swap3A_195], %swap3A_198 {strides = array<i32>} : memref<1x8192x64xf32, #tpu.memory_space<vmem>>, vector<1x128x64xf32>,
    %slice3A_199 = vector.extract_strided_slice %convert_element_type3A_51 {offsets = [1024, 0], sizes = [128, 64], strides = [1, 1]} : vector<8192x64xbf16> to vector<128x64xbf16>
    %slice3A_200 = vector.extract_strided_slice %convert_element_type3A_51 {offsets = [896, 0], sizes = [256, 64], strides = [1, 1]} : vector<8192x64xbf16> to vector<256x64xbf16>
    %slice3A_201 = vector.extract_strided_slice %convert_element_type3A_57 {offsets = [896, 0], sizes = [256, 64], strides = [1, 1]} : vector<8192x64xbf16> to vector<256x64xbf16>
    %dot_general3A_202 = arith.constant dense<0.000000e+00> : vector<128x256xf32>
    %dot_general3A_203 = tpu.matmul %slice3A_199, %slice3A_200, %dot_general3A_202 {dimension_numbers = #tpu.dot_dimension_numbers<[1], [1], [0], [0], [0, 0, 1, 0], [], []>, transpose_lhs_hint = false} : vector<128x64xbf16>, vector<256x64xbf16>, vector<128x256xf32> -> vector<128x256xf32>
    %convert_element_type3A_204 = arith.truncf %dot_general3A_203 : vector<128x256xf32> to vector<128x256xbf16>
    %get3A_205 = arith.constant 0 : index
    %get3A_206 = arith.constant 0 : index
    %get3A_207 = vector.load %arg6[%get3A_205, %get3A_206] : memref<128x256xbf16, #tpu.memory_space<vmem>>, vector<128x256xbf16>
    %mul3A_208 = arith.mulf %convert_element_type3A_204, %get3A_207 : vector<128x256xbf16>
    %dot_general3A_209 = arith.constant dense<0.000000e+00> : vector<128x64xf32>
    %dot_general3A_210 = tpu.matmul %mul3A_208, %slice3A_201, %dot_general3A_209 {dimension_numbers = #tpu.dot_dimension_numbers<[1], [0], [0], [1], [0, 0, 1, 1], [], []>, transpose_lhs_hint = false} : vector<128x256xbf16>, vector<256x64xbf16>, vector<128x64xf32> -> vector<128x64xf32>
    %swap3A_211 = arith.constant 0 : index
    %swap3A_212 = arith.constant 1024 : index
    %swap3A_213 = arith.constant 0 : index
    %swap3A_214 = vector.load %arg5[%swap3A_211, %swap3A_212, %swap3A_213] : memref<1x8192x64xf32, #tpu.memory_space<vmem>>, vector<1x128x64xf32>
    %swap3A_215 = vector.shape_cast %swap3A_214 : vector<1x128x64xf32> to vector<128x64xf32>
    %swap3A_216 = vector.shape_cast %dot_general3A_210 : vector<128x64xf32> to vector<1x128x64xf32>
    tpu.vector_store %arg5[%swap3A_211, %swap3A_212, %swap3A_213], %swap3A_216 {strides = array<i32>} : memref<1x8192x64xf32, #tpu.memory_space<vmem>>, vector<1x128x64xf32>,
    %slice3A_217 = vector.extract_strided_slice %convert_element_type3A_51 {offsets = [1152, 0], sizes = [128, 64], strides = [1, 1]} : vector<8192x64xbf16> to vector<128x64xbf16>
    %slice3A_218 = vector.extract_strided_slice %convert_element_type3A_51 {offsets = [1024, 0], sizes = [256, 64], strides = [1, 1]} : vector<8192x64xbf16> to vector<256x64xbf16>
    %slice3A_219 = vector.extract_strided_slice %convert_element_type3A_57 {offsets = [1024, 0], sizes = [256, 64], strides = [1, 1]} : vector<8192x64xbf16> to vector<256x64xbf16>
    %dot_general3A_220 = arith.constant dense<0.000000e+00> : vector<128x256xf32>
    %dot_general3A_221 = tpu.matmul %slice3A_217, %slice3A_218, %dot_general3A_220 {dimension_numbers = #tpu.dot_dimension_numbers<[1], [1], [0], [0], [0, 0, 1, 0], [], []>, transpose_lhs_hint = false} : vector<128x64xbf16>, vector<256x64xbf16>, vector<128x256xf32> -> vector<128x256xf32>
    %convert_element_type3A_222 = arith.truncf %dot_general3A_221 : vector<128x256xf32> to vector<128x256xbf16>
    %get3A_223 = arith.constant 0 : index
    %get3A_224 = arith.constant 0 : index
    %get3A_225 = vector.load %arg6[%get3A_223, %get3A_224] : memref<128x256xbf16, #tpu.memory_space<vmem>>, vector<128x256xbf16>
    %mul3A_226 = arith.mulf %convert_element_type3A_222, %get3A_225 : vector<128x256xbf16>
    %dot_general3A_227 = arith.constant dense<0.000000e+00> : vector<128x64xf32>
    %dot_general3A_228 = tpu.matmul %mul3A_226, %slice3A_219, %dot_general3A_227 {dimension_numbers = #tpu.dot_dimension_numbers<[1], [0], [0], [1], [0, 0, 1, 1], [], []>, transpose_lhs_hint = false} : vector<128x256xbf16>, vector<256x64xbf16>, vector<128x64xf32> -> vector<128x64xf32>
    %swap3A_229 = arith.constant 0 : index
    %swap3A_230 = arith.constant 1152 : index
    %swap3A_231 = arith.constant 0 : index
    %swap3A_232 = vector.load %arg5[%swap3A_229, %swap3A_230, %swap3A_231] : memref<1x8192x64xf32, #tpu.memory_space<vmem>>, vector<1x128x64xf32>
    %swap3A_233 = vector.shape_cast %swap3A_232 : vector<1x128x64xf32> to vector<128x64xf32>
    %swap3A_234 = vector.shape_cast %dot_general3A_228 : vector<128x64xf32> to vector<1x128x64xf32>
    tpu.vector_store %arg5[%swap3A_229, %swap3A_230, %swap3A_231], %swap3A_234 {strides = array<i32>} : memref<1x8192x64xf32, #tpu.memory_space<vmem>>, vector<1x128x64xf32>,
    %slice3A_235 = vector.extract_strided_slice %convert_element_type3A_51 {offsets = [1280, 0], sizes = [128, 64], strides = [1, 1]} : vector<8192x64xbf16> to vector<128x64xbf16>
    %slice3A_236 = vector.extract_strided_slice %convert_element_type3A_51 {offsets = [1152, 0], sizes = [256, 64], strides = [1, 1]} : vector<8192x64xbf16> to vector<256x64xbf16>
    %slice3A_237 = vector.extract_strided_slice %convert_element_type3A_57 {offsets = [1152, 0], sizes = [256, 64], strides = [1, 1]} : vector<8192x64xbf16> to vector<256x64xbf16>
    %dot_general3A_238 = arith.constant dense<0.000000e+00> : vector<128x256xf32>
    %dot_general3A_239 = tpu.matmul %slice3A_235, %slice3A_236, %dot_general3A_238 {dimension_numbers = #tpu.dot_dimension_numbers<[1], [1], [0], [0], [0, 0, 1, 0], [], []>, transpose_lhs_hint = false} : vector<128x64xbf16>, vector<256x64xbf16>, vector<128x256xf32> -> vector<128x256xf32>
    %convert_element_type3A_240 = arith.truncf %dot_general3A_239 : vector<128x256xf32> to vector<128x256xbf16>
    %get3A_241 = arith.constant 0 : index
    %get3A_242 = arith.constant 0 : index
    %get3A_243 = vector.load %arg6[%get3A_241, %get3A_242] : memref<128x256xbf16, #tpu.memory_space<vmem>>, vector<128x256xbf16>
    %mul3A_244 = arith.mulf %convert_element_type3A_240, %get3A_243 : vector<128x256xbf16>
    %dot_general3A_245 = arith.constant dense<0.000000e+00> : vector<128x64xf32>
    %dot_general3A_246 = tpu.matmul %mul3A_244, %slice3A_237, %dot_general3A_245 {dimension_numbers = #tpu.dot_dimension_numbers<[1], [0], [0], [1], [0, 0, 1, 1], [], []>, transpose_lhs_hint = false} : vector<128x256xbf16>, vector<256x64xbf16>, vector<128x64xf32> -> vector<128x64xf32>
    %swap3A_247 = arith.constant 0 : index
    %swap3A_248 = arith.constant 1280 : index
    %swap3A_249 = arith.constant 0 : index
    %swap3A_250 = vector.load %arg5[%swap3A_247, %swap3A_248, %swap3A_249] : memref<1x8192x64xf32, #tpu.memory_space<vmem>>, vector<1x128x64xf32>
    %swap3A_251 = vector.shape_cast %swap3A_250 : vector<1x128x64xf32> to vector<128x64xf32>
    %swap3A_252 = vector.shape_cast %dot_general3A_246 : vector<128x64xf32> to vector<1x128x64xf32>
    tpu.vector_store %arg5[%swap3A_247, %swap3A_248, %swap3A_249], %swap3A_252 {strides = array<i32>} : memref<1x8192x64xf32, #tpu.memory_space<vmem>>, vector<1x128x64xf32>,
    %slice3A_253 = vector.extract_strided_slice %convert_element_type3A_51 {offsets = [1408, 0], sizes = [128, 64], strides = [1, 1]} : vector<8192x64xbf16> to vector<128x64xbf16>
    %slice3A_254 = vector.extract_strided_slice %convert_element_type3A_51 {offsets = [1280, 0], sizes = [256, 64], strides = [1, 1]} : vector<8192x64xbf16> to vector<256x64xbf16>
    %slice3A_255 = vector.extract_strided_slice %convert_element_type3A_57 {offsets = [1280, 0], sizes = [256, 64], strides = [1, 1]} : vector<8192x64xbf16> to vector<256x64xbf16>
    %dot_general3A_256 = arith.constant dense<0.000000e+00> : vector<128x256xf32>
    %dot_general3A_257 = tpu.matmul %slice3A_253, %slice3A_254, %dot_general3A_256 {dimension_numbers = #tpu.dot_dimension_numbers<[1], [1], [0], [0], [0, 0, 1, 0], [], []>, transpose_lhs_hint = false} : vector<128x64xbf16>, vector<256x64xbf16>, vector<128x256xf32> -> vector<128x256xf32>
    %convert_element_type3A_258 = arith.truncf %dot_general3A_257 : vector<128x256xf32> to vector<128x256xbf16>
    %get3A_259 = arith.constant 0 : index
    %get3A_260 = arith.constant 0 : index
    %get3A_261 = vector.load %arg6[%get3A_259, %get3A_260] : memref<128x256xbf16, #tpu.memory_space<vmem>>, vector<128x256xbf16>
    %mul3A_262 = arith.mulf %convert_element_type3A_258, %get3A_261 : vector<128x256xbf16>
    %dot_general3A_263 = arith.constant dense<0.000000e+00> : vector<128x64xf32>
    %dot_general3A_264 = tpu.matmul %mul3A_262, %slice3A_255, %dot_general3A_263 {dimension_numbers = #tpu.dot_dimension_numbers<[1], [0], [0], [1], [0, 0, 1, 1], [], []>, transpose_lhs_hint = false} : vector<128x256xbf16>, vector<256x64xbf16>, vector<128x64xf32> -> vector<128x64xf32>
    %swap3A_265 = arith.constant 0 : index
    %swap3A_266 = arith.constant 1408 : index
    %swap3A_267 = arith.constant 0 : index
    %swap3A_268 = vector.load %arg5[%swap3A_265, %swap3A_266, %swap3A_267] : memref<1x8192x64xf32, #tpu.memory_space<vmem>>, vector<1x128x64xf32>
    %swap3A_269 = vector.shape_cast %swap3A_268 : vector<1x128x64xf32> to vector<128x64xf32>
    %swap3A_270 = vector.shape_cast %dot_general3A_264 : vector<128x64xf32> to vector<1x128x64xf32>
    tpu.vector_store %arg5[%swap3A_265, %swap3A_266, %swap3A_267], %swap3A_270 {strides = array<i32>} : memref<1x8192x64xf32, #tpu.memory_space<vmem>>, vector<1x128x64xf32>,
    %slice3A_271 = vector.extract_strided_slice %convert_element_type3A_51 {offsets = [1536, 0], sizes = [128, 64], strides = [1, 1]} : vector<8192x64xbf16> to vector<128x64xbf16>
    %slice3A_272 = vector.extract_strided_slice %convert_element_type3A_51 {offsets = [1408, 0], sizes = [256, 64], strides = [1, 1]} : vector<8192x64xbf16> to vector<256x64xbf16>
    %slice3A_273 = vector.extract_strided_slice %convert_element_type3A_57 {offsets = [1408, 0], sizes = [256, 64], strides = [1, 1]} : vector<8192x64xbf16> to vector<256x64xbf16>
    %dot_general3A_274 = arith.constant dense<0.000000e+00> : vector<128x256xf32>
    %dot_general3A_275 = tpu.matmul %slice3A_271, %slice3A_272, %dot_general3A_274 {dimension_numbers = #tpu.dot_dimension_numbers<[1], [1], [0], [0], [0, 0, 1, 0], [], []>, transpose_lhs_hint = false} : vector<128x64xbf16>, vector<256x64xbf16>, vector<128x256xf32> -> vector<128x256xf32>
    %convert_element_type3A_276 = arith.truncf %dot_general3A_275 : vector<128x256xf32> to vector<128x256xbf16>
    %get3A_277 = arith.constant 0 : index
    %get3A_278 = arith.constant 0 : index
    %get3A_279 = vector.load %arg6[%get3A_277, %get3A_278] : memref<128x256xbf16, #tpu.memory_space<vmem>>, vector<128x256xbf16>
    %mul3A_280 = arith.mulf %convert_element_type3A_276, %get3A_279 : vector<128x256xbf16>
    %dot_general3A_281 = arith.constant dense<0.000000e+00> : vector<128x64xf32>
    %dot_general3A_282 = tpu.matmul %mul3A_280, %slice3A_273, %dot_general3A_281 {dimension_numbers = #tpu.dot_dimension_numbers<[1], [0], [0], [1], [0, 0, 1, 1], [], []>, transpose_lhs_hint = false} : vector<128x256xbf16>, vector<256x64xbf16>, vector<128x64xf32> -> vector<128x64xf32>
    %swap3A_283 = arith.constant 0 : index
    %swap3A_284 = arith.constant 1536 : index
    %swap3A_285 = arith.constant 0 : index
    %swap3A_286 = vector.load %arg5[%swap3A_283, %swap3A_284, %swap3A_285] : memref<1x8192x64xf32, #tpu.memory_space<vmem>>, vector<1x128x64xf32>
    %swap3A_287 = vector.shape_cast %swap3A_286 : vector<1x128x64xf32> to vector<128x64xf32>
    %swap3A_288 = vector.shape_cast %dot_general3A_282 : vector<128x64xf32> to vector<1x128x64xf32>
    tpu.vector_store %arg5[%swap3A_283, %swap3A_284, %swap3A_285], %swap3A_288 {strides = array<i32>} : memref<1x8192x64xf32, #tpu.memory_space<vmem>>, vector<1x128x64xf32>,
    %slice3A_289 = vector.extract_strided_slice %convert_element_type3A_51 {offsets = [1664, 0], sizes = [128, 64], strides = [1, 1]} : vector<8192x64xbf16> to vector<128x64xbf16>
    %slice3A_290 = vector.extract_strided_slice %convert_element_type3A_51 {offsets = [1536, 0], sizes = [256, 64], strides = [1, 1]} : vector<8192x64xbf16> to vector<256x64xbf16>
    %slice3A_291 = vector.extract_strided_slice %convert_element_type3A_57 {offsets = [1536, 0], sizes = [256, 64], strides = [1, 1]} : vector<8192x64xbf16> to vector<256x64xbf16>
    %dot_general3A_292 = arith.constant dense<0.000000e+00> : vector<128x256xf32>
    %dot_general3A_293 = tpu.matmul %slice3A_289, %slice3A_290, %dot_general3A_292 {dimension_numbers = #tpu.dot_dimension_numbers<[1], [1], [0], [0], [0, 0, 1, 0], [], []>, transpose_lhs_hint = false} : vector<128x64xbf16>, vector<256x64xbf16>, vector<128x256xf32> -> vector<128x256xf32>
    %convert_element_type3A_294 = arith.truncf %dot_general3A_293 : vector<128x256xf32> to vector<128x256xbf16>
    %get3A_295 = arith.constant 0 : index
    %get3A_296 = arith.constant 0 : index
    %get3A_297 = vector.load %arg6[%get3A_295, %get3A_296] : memref<128x256xbf16, #tpu.memory_space<vmem>>, vector<128x256xbf16>
    %mul3A_298 = arith.mulf %convert_element_type3A_294, %get3A_297 : vector<128x256xbf16>
    %dot_general3A_299 = arith.constant dense<0.000000e+00> : vector<128x64xf32>
    %dot_general3A_300 = tpu.matmul %mul3A_298, %slice3A_291, %dot_general3A_299 {dimension_numbers = #tpu.dot_dimension_numbers<[1], [0], [0], [1], [0, 0, 1, 1], [], []>, transpose_lhs_hint = false} : vector<128x256xbf16>, vector<256x64xbf16>, vector<128x64xf32> -> vector<128x64xf32>
    %swap3A_301 = arith.constant 0 : index
    %swap3A_302 = arith.constant 1664 : index
    %swap3A_303 = arith.constant 0 : index
    %swap3A_304 = vector.load %arg5[%swap3A_301, %swap3A_302, %swap3A_303] : memref<1x8192x64xf32, #tpu.memory_space<vmem>>, vector<1x128x64xf32>
    %swap3A_305 = vector.shape_cast %swap3A_304 : vector<1x128x64xf32> to vector<128x64xf32>
    %swap3A_306 = vector.shape_cast %dot_general3A_300 : vector<128x64xf32> to vector<1x128x64xf32>
    tpu.vector_store %arg5[%swap3A_301, %swap3A_302, %swap3A_303], %swap3A_306 {strides = array<i32>} : memref<1x8192x64xf32, #tpu.memory_space<vmem>>, vector<1x128x64xf32>,
    %slice3A_307 = vector.extract_strided_slice %convert_element_type3A_51 {offsets = [1792, 0], sizes = [128, 64], strides = [1, 1]} : vector<8192x64xbf16> to vector<128x64xbf16>
    %slice3A_308 = vector.extract_strided_slice %convert_element_type3A_51 {offsets = [1664, 0], sizes = [256, 64], strides = [1, 1]} : vector<8192x64xbf16> to vector<256x64xbf16>
    %slice3A_309 = vector.extract_strided_slice %convert_element_type3A_57 {offsets = [1664, 0], sizes = [256, 64], strides = [1, 1]} : vector<8192x64xbf16> to vector<256x64xbf16>
    %dot_general3A_310 = arith.constant dense<0.000000e+00> : vector<128x256xf32>
    %dot_general3A_311 = tpu.matmul %slice3A_307, %slice3A_308, %dot_general3A_310 {dimension_numbers = #tpu.dot_dimension_numbers<[1], [1], [0], [0], [0, 0, 1, 0], [], []>, transpose_lhs_hint = false} : vector<128x64xbf16>, vector<256x64xbf16>, vector<128x256xf32> -> vector<128x256xf32>
    %convert_element_type3A_312 = arith.truncf %dot_general3A_311 : vector<128x256xf32> to vector<128x256xbf16>
    %get3A_313 = arith.constant 0 : index
    %get3A_314 = arith.constant 0 : index
    %get3A_315 = vector.load %arg6[%get3A_313, %get3A_314] : memref<128x256xbf16, #tpu.memory_space<vmem>>, vector<128x256xbf16>
    %mul3A_316 = arith.mulf %convert_element_type3A_312, %get3A_315 : vector<128x256xbf16>
    %dot_general3A_317 = arith.constant dense<0.000000e+00> : vector<128x64xf32>
    %dot_general3A_318 = tpu.matmul %mul3A_316, %slice3A_309, %dot_general3A_317 {dimension_numbers = #tpu.dot_dimension_numbers<[1], [0], [0], [1], [0, 0, 1, 1], [], []>, transpose_lhs_hint = false} : vector<128x256xbf16>, vector<256x64xbf16>, vector<128x64xf32> -> vector<128x64xf32>
    %swap3A_319 = arith.constant 0 : index
    %swap3A_320 = arith.constant 1792 : index
    %swap3A_321 = arith.constant 0 : index
    %swap3A_322 = vector.load %arg5[%swap3A_319, %swap3A_320, %swap3A_321] : memref<1x8192x64xf32, #tpu.memory_space<vmem>>, vector<1x128x64xf32>
    %swap3A_323 = vector.shape_cast %swap3A_322 : vector<1x128x64xf32> to vector<128x64xf32>
    %swap3A_324 = vector.shape_cast %dot_general3A_318 : vector<128x64xf32> to vector<1x128x64xf32>
    tpu.vector_store %arg5[%swap3A_319, %swap3A_320, %swap3A_321], %swap3A_324 {strides = array<i32>} : memref<1x8192x64xf32, #tpu.memory_space<vmem>>, vector<1x128x64xf32>,
    %slice3A_325 = vector.extract_strided_slice %convert_element_type3A_51 {offsets = [1920, 0], sizes = [128, 64], strides = [1, 1]} : vector<8192x64xbf16> to vector<128x64xbf16>
    %slice3A_326 = vector.extract_strided_slice %convert_element_type3A_51 {offsets = [1792, 0], sizes = [256, 64], strides = [1, 1]} : vector<8192x64xbf16> to vector<256x64xbf16>
    %slice3A_327 = vector.extract_strided_slice %convert_element_type3A_57 {offsets = [1792, 0], sizes = [256, 64], strides = [1, 1]} : vector<8192x64xbf16> to vector<256x64xbf16>
    %dot_general3A_328 = arith.constant dense<0.000000e+00> : vector<128x256xf32>
    %dot_general3A_329 = tpu.matmul %slice3A_325, %slice3A_326, %dot_general3A_328 {dimension_numbers = #tpu.dot_dimension_numbers<[1], [1], [0], [0], [0, 0, 1, 0], [], []>, transpose_lhs_hint = false} : vector<128x64xbf16>, vector<256x64xbf16>, vector<128x256xf32> -> vector<128x256xf32>
    %convert_element_type3A_330 = arith.truncf %dot_general3A_329 : vector<128x256xf32> to vector<128x256xbf16>
    %get3A_331 = arith.constant 0 : index
    %get3A_332 = arith.constant 0 : index
    %get3A_333 = vector.load %arg6[%get3A_331, %get3A_332] : memref<128x256xbf16, #tpu.memory_space<vmem>>, vector<128x256xbf16>
    %mul3A_334 = arith.mulf %convert_element_type3A_330, %get3A_333 : vector<128x256xbf16>
    %dot_general3A_335 = arith.constant dense<0.000000e+00> : vector<128x64xf32>
    %dot_general3A_336 = tpu.matmul %mul3A_334, %slice3A_327, %dot_general3A_335 {dimension_numbers = #tpu.dot_dimension_numbers<[1], [0], [0], [1], [0, 0, 1, 1], [], []>, transpose_lhs_hint = false} : vector<128x256xbf16>, vector<256x64xbf16>, vector<128x64xf32> -> vector<128x64xf32>
    %swap3A_337 = arith.constant 0 : index
    %swap3A_338 = arith.constant 1920 : index
    %swap3A_339 = arith.constant 0 : index
    %swap3A_340 = vector.load %arg5[%swap3A_337, %swap3A_338, %swap3A_339] : memref<1x8192x64xf32, #tpu.memory_space<vmem>>, vector<1x128x64xf32>
    %swap3A_341 = vector.shape_cast %swap3A_340 : vector<1x128x64xf32> to vector<128x64xf32>
    %swap3A_342 = vector.shape_cast %dot_general3A_336 : vector<128x64xf32> to vector<1x128x64xf32>
    tpu.vector_store %arg5[%swap3A_337, %swap3A_338, %swap3A_339], %swap3A_342 {strides = array<i32>} : memref<1x8192x64xf32, #tpu.memory_space<vmem>>, vector<1x128x64xf32>,
    %slice3A_343 = vector.extract_strided_slice %convert_element_type3A_51 {offsets = [2048, 0], sizes = [128, 64], strides = [1, 1]} : vector<8192x64xbf16> to vector<128x64xbf16>
    %slice3A_344 = vector.extract_strided_slice %convert_element_type3A_51 {offsets = [1920, 0], sizes = [256, 64], strides = [1, 1]} : vector<8192x64xbf16> to vector<256x64xbf16>
    %slice3A_345 = vector.extract_strided_slice %convert_element_type3A_57 {offsets = [1920, 0], sizes = [256, 64], strides = [1, 1]} : vector<8192x64xbf16> to vector<256x64xbf16>
    %dot_general3A_346 = arith.constant dense<0.000000e+00> : vector<128x256xf32>
    %dot_general3A_347 = tpu.matmul %slice3A_343, %slice3A_344, %dot_general3A_346 {dimension_numbers = #tpu.dot_dimension_numbers<[1], [1], [0], [0], [0, 0, 1, 0], [], []>, transpose_lhs_hint = false} : vector<128x64xbf16>, vector<256x64xbf16>, vector<128x256xf32> -> vector<128x256xf32>
    %convert_element_type3A_348 = arith.truncf %dot_general3A_347 : vector<128x256xf32> to vector<128x256xbf16>
    %get3A_349 = arith.constant 0 : index
    %get3A_350 = arith.constant 0 : index
    %get3A_351 = vector.load %arg6[%get3A_349, %get3A_350] : memref<128x256xbf16, #tpu.memory_space<vmem>>, vector<128x256xbf16>
    %mul3A_352 = arith.mulf %convert_element_type3A_348, %get3A_351 : vector<128x256xbf16>
    %dot_general3A_353 = arith.constant dense<0.000000e+00> : vector<128x64xf32>
    %dot_general3A_354 = tpu.matmul %mul3A_352, %slice3A_345, %dot_general3A_353 {dimension_numbers = #tpu.dot_dimension_numbers<[1], [0], [0], [1], [0, 0, 1, 1], [], []>, transpose_lhs_hint = false} : vector<128x256xbf16>, vector<256x64xbf16>, vector<128x64xf32> -> vector<128x64xf32>
    %swap3A_355 = arith.constant 0 : index
    %swap3A_356 = arith.constant 2048 : index
    %swap3A_357 = arith.constant 0 : index
    %swap3A_358 = vector.load %arg5[%swap3A_355, %swap3A_356, %swap3A_357] : memref<1x8192x64xf32, #tpu.memory_space<vmem>>, vector<1x128x64xf32>
    %swap3A_359 = vector.shape_cast %swap3A_358 : vector<1x128x64xf32> to vector<128x64xf32>
    %swap3A_360 = vector.shape_cast %dot_general3A_354 : vector<128x64xf32> to vector<1x128x64xf32>
    tpu.vector_store %arg5[%swap3A_355, %swap3A_356, %swap3A_357], %swap3A_360 {strides = array<i32>} : memref<1x8192x64xf32, #tpu.memory_space<vmem>>, vector<1x128x64xf32>,
    %slice3A_361 = vector.extract_strided_slice %convert_element_type3A_51 {offsets = [2176, 0], sizes = [128, 64], strides = [1, 1]} : vector<8192x64xbf16> to vector<128x64xbf16>
    %slice3A_362 = vector.extract_strided_slice %convert_element_type3A_51 {offsets = [2048, 0], sizes = [256, 64], strides = [1, 1]} : vector<8192x64xbf16> to vector<256x64xbf16>
    %slice3A_363 = vector.extract_strided_slice %convert_element_type3A_57 {offsets = [2048, 0], sizes = [256, 64], strides = [1, 1]} : vector<8192x64xbf16> to vector<256x64xbf16>
    %dot_general3A_364 = arith.constant dense<0.000000e+00> : vector<128x256xf32>
    %dot_general3A_365 = tpu.matmul %slice3A_361, %slice3A_362, %dot_general3A_364 {dimension_numbers = #tpu.dot_dimension_numbers<[1], [1], [0], [0], [0, 0, 1, 0], [], []>, transpose_lhs_hint = false} : vector<128x64xbf16>, vector<256x64xbf16>, vector<128x256xf32> -> vector<128x256xf32>
    %convert_element_type3A_366 = arith.truncf %dot_general3A_365 : vector<128x256xf32> to vector<128x256xbf16>
    %get3A_367 = arith.constant 0 : index
    %get3A_368 = arith.constant 0 : index
    %get3A_369 = vector.load %arg6[%get3A_367, %get3A_368] : memref<128x256xbf16, #tpu.memory_space<vmem>>, vector<128x256xbf16>
    %mul3A_370 = arith.mulf %convert_element_type3A_366, %get3A_369 : vector<128x256xbf16>
    %dot_general3A_371 = arith.constant dense<0.000000e+00> : vector<128x64xf32>
    %dot_general3A_372 = tpu.matmul %mul3A_370, %slice3A_363, %dot_general3A_371 {dimension_numbers = #tpu.dot_dimension_numbers<[1], [0], [0], [1], [0, 0, 1, 1], [], []>, transpose_lhs_hint = false} : vector<128x256xbf16>, vector<256x64xbf16>, vector<128x64xf32> -> vector<128x64xf32>
    %swap3A_373 = arith.constant 0 : index
    %swap3A_374 = arith.constant 2176 : index
    %swap3A_375 = arith.constant 0 : index
    %swap3A_376 = vector.load %arg5[%swap3A_373, %swap3A_374, %swap3A_375] : memref<1x8192x64xf32, #tpu.memory_space<vmem>>, vector<1x128x64xf32>
    %swap3A_377 = vector.shape_cast %swap3A_376 : vector<1x128x64xf32> to vector<128x64xf32>
    %swap3A_378 = vector.shape_cast %dot_general3A_372 : vector<128x64xf32> to vector<1x128x64xf32>
    tpu.vector_store %arg5[%swap3A_373, %swap3A_374, %swap3A_375], %swap3A_378 {strides = array<i32>} : memref<1x8192x64xf32, #tpu.memory_space<vmem>>, vector<1x128x64xf32>,
    %slice3A_379 = vector.extract_strided_slice %convert_element_type3A_51 {offsets = [2304, 0], sizes = [128, 64], strides = [1, 1]} : vector<8192x64xbf16> to vector<128x64xbf16>
    %slice3A_380 = vector.extract_strided_slice %convert_element_type3A_51 {offsets = [2176, 0], sizes = [256, 64], strides = [1, 1]} : vector<8192x64xbf16> to vector<256x64xbf16>
    %slice3A_381 = vector.extract_strided_slice %convert_element_type3A_57 {offsets = [2176, 0], sizes = [256, 64], strides = [1, 1]} : vector<8192x64xbf16> to vector<256x64xbf16>
    %dot_general3A_382 = arith.constant dense<0.000000e+00> : vector<128x256xf32>
    %dot_general3A_383 = tpu.matmul %slice3A_379, %slice3A_380, %dot_general3A_382 {dimension_numbers = #tpu.dot_dimension_numbers<[1], [1], [0], [0], [0, 0, 1, 0], [], []>, transpose_lhs_hint = false} : vector<128x64xbf16>, vector<256x64xbf16>, vector<128x256xf32> -> vector<128x256xf32>
    %convert_element_type3A_384 = arith.truncf %dot_general3A_383 : vector<128x256xf32> to vector<128x256xbf16>
    %get3A_385 = arith.constant 0 : index
    %get3A_386 = arith.constant 0 : index
    %get3A_387 = vector.load %arg6[%get3A_385, %get3A_386] : memref<128x256xbf16, #tpu.memory_space<vmem>>, vector<128x256xbf16>
    %mul3A_388 = arith.mulf %convert_element_type3A_384, %get3A_387 : vector<128x256xbf16>
    %dot_general3A_389 = arith.constant dense<0.000000e+00> : vector<128x64xf32>
    %dot_general3A_390 = tpu.matmul %mul3A_388, %slice3A_381, %dot_general3A_389 {dimension_numbers = #tpu.dot_dimension_numbers<[1], [0], [0], [1], [0, 0, 1, 1], [], []>, transpose_lhs_hint = false} : vector<128x256xbf16>, vector<256x64xbf16>, vector<128x64xf32> -> vector<128x64xf32>
    %swap3A_391 = arith.constant 0 : index
    %swap3A_392 = arith.constant 2304 : index
    %swap3A_393 = arith.constant 0 : index
    %swap3A_394 = vector.load %arg5[%swap3A_391, %swap3A_392, %swap3A_393] : memref<1x8192x64xf32, #tpu.memory_space<vmem>>, vector<1x128x64xf32>
    %swap3A_395 = vector.shape_cast %swap3A_394 : vector<1x128x64xf32> to vector<128x64xf32>
    %swap3A_396 = vector.shape_cast %dot_general3A_390 : vector<128x64xf32> to vector<1x128x64xf32>
    tpu.vector_store %arg5[%swap3A_391, %swap3A_392, %swap3A_393], %swap3A_396 {strides = array<i32>} : memref<1x8192x64xf32, #tpu.memory_space<vmem>>, vector<1x128x64xf32>,
    %slice3A_397 = vector.extract_strided_slice %convert_element_type3A_51 {offsets = [2432, 0], sizes = [128, 64], strides = [1, 1]} : vector<8192x64xbf16> to vector<128x64xbf16>
    %slice3A_398 = vector.extract_strided_slice %convert_element_type3A_51 {offsets = [2304, 0], sizes = [256, 64], strides = [1, 1]} : vector<8192x64xbf16> to vector<256x64xbf16>
    %slice3A_399 = vector.extract_strided_slice %convert_element_type3A_57 {offsets = [2304, 0], sizes = [256, 64], strides = [1, 1]} : vector<8192x64xbf16> to vector<256x64xbf16>
    %dot_general3A_400 = arith.constant dense<0.000000e+00> : vector<128x256xf32>
    %dot_general3A_401 = tpu.matmul %slice3A_397, %slice3A_398, %dot_general3A_400 {dimension_numbers = #tpu.dot_dimension_numbers<[1], [1], [0], [0], [0, 0, 1, 0], [], []>, transpose_lhs_hint = false} : vector<128x64xbf16>, vector<256x64xbf16>, vector<128x256xf32> -> vector<128x256xf32>
    %convert_element_type3A_402 = arith.truncf %dot_general3A_401 : vector<128x256xf32> to vector<128x256xbf16>
    %get3A_403 = arith.constant 0 : index
    %get3A_404 = arith.constant 0 : index
    %get3A_405 = vector.load %arg6[%get3A_403, %get3A_404] : memref<128x256xbf16, #tpu.memory_space<vmem>>, vector<128x256xbf16>
    %mul3A_406 = arith.mulf %convert_element_type3A_402, %get3A_405 : vector<128x256xbf16>
    %dot_general3A_407 = arith.constant dense<0.000000e+00> : vector<128x64xf32>
    %dot_general3A_408 = tpu.matmul %mul3A_406, %slice3A_399, %dot_general3A_407 {dimension_numbers = #tpu.dot_dimension_numbers<[1], [0], [0], [1], [0, 0, 1, 1], [], []>, transpose_lhs_hint = false} : vector<128x256xbf16>, vector<256x64xbf16>, vector<128x64xf32> -> vector<128x64xf32>
    %swap3A_409 = arith.constant 0 : index
    %swap3A_410 = arith.constant 2432 : index
    %swap3A_411 = arith.constant 0 : index
    %swap3A_412 = vector.load %arg5[%swap3A_409, %swap3A_410, %swap3A_411] : memref<1x8192x64xf32, #tpu.memory_space<vmem>>, vector<1x128x64xf32>
    %swap3A_413 = vector.shape_cast %swap3A_412 : vector<1x128x64xf32> to vector<128x64xf32>
    %swap3A_414 = vector.shape_cast %dot_general3A_408 : vector<128x64xf32> to vector<1x128x64xf32>
    tpu.vector_store %arg5[%swap3A_409, %swap3A_410, %swap3A_411], %swap3A_414 {strides = array<i32>} : memref<1x8192x64xf32, #tpu.memory_space<vmem>>, vector<1x128x64xf32>,
    %slice3A_415 = vector.extract_strided_slice %convert_element_type3A_51 {offsets = [2560, 0], sizes = [128, 64], strides = [1, 1]} : vector<8192x64xbf16> to vector<128x64xbf16>
    %slice3A_416 = vector.extract_strided_slice %convert_element_type3A_51 {offsets = [2432, 0], sizes = [256, 64], strides = [1, 1]} : vector<8192x64xbf16> to vector<256x64xbf16>
    %slice3A_417 = vector.extract_strided_slice %convert_element_type3A_57 {offsets = [2432, 0], sizes = [256, 64], strides = [1, 1]} : vector<8192x64xbf16> to vector<256x64xbf16>
    %dot_general3A_418 = arith.constant dense<0.000000e+00> : vector<128x256xf32>
    %dot_general3A_419 = tpu.matmul %slice3A_415, %slice3A_416, %dot_general3A_418 {dimension_numbers = #tpu.dot_dimension_numbers<[1], [1], [0], [0], [0, 0, 1, 0], [], []>, transpose_lhs_hint = false} : vector<128x64xbf16>, vector<256x64xbf16>, vector<128x256xf32> -> vector<128x256xf32>
    %convert_element_type3A_420 = arith.truncf %dot_general3A_419 : vector<128x256xf32> to vector<128x256xbf16>
    %get3A_421 = arith.constant 0 : index
    %get3A_422 = arith.constant 0 : index
    %get3A_423 = vector.load %arg6[%get3A_421, %get3A_422] : memref<128x256xbf16, #tpu.memory_space<vmem>>, vector<128x256xbf16>
    %mul3A_424 = arith.mulf %convert_element_type3A_420, %get3A_423 : vector<128x256xbf16>
    %dot_general3A_425 = arith.constant dense<0.000000e+00> : vector<128x64xf32>
    %dot_general3A_426 = tpu.matmul %mul3A_424, %slice3A_417, %dot_general3A_425 {dimension_numbers = #tpu.dot_dimension_numbers<[1], [0], [0], [1], [0, 0, 1, 1], [], []>, transpose_lhs_hint = false} : vector<128x256xbf16>, vector<256x64xbf16>, vector<128x64xf32> -> vector<128x64xf32>
    %swap3A_427 = arith.constant 0 : index
    %swap3A_428 = arith.constant 2560 : index
    %swap3A_429 = arith.constant 0 : index
    %swap3A_430 = vector.load %arg5[%swap3A_427, %swap3A_428, %swap3A_429] : memref<1x8192x64xf32, #tpu.memory_space<vmem>>, vector<1x128x64xf32>
    %swap3A_431 = vector.shape_cast %swap3A_430 : vector<1x128x64xf32> to vector<128x64xf32>
    %swap3A_432 = vector.shape_cast %dot_general3A_426 : vector<128x64xf32> to vector<1x128x64xf32>
    tpu.vector_store %arg5[%swap3A_427, %swap3A_428, %swap3A_429], %swap3A_432 {strides = array<i32>} : memref<1x8192x64xf32, #tpu.memory_space<vmem>>, vector<1x128x64xf32>,
    %slice3A_433 = vector.extract_strided_slice %convert_element_type3A_51 {offsets = [2688, 0], sizes = [128, 64], strides = [1, 1]} : vector<8192x64xbf16> to vector<128x64xbf16>
    %slice3A_434 = vector.extract_strided_slice %convert_element_type3A_51 {offsets = [2560, 0], sizes = [256, 64], strides = [1, 1]} : vector<8192x64xbf16> to vector<256x64xbf16>
    %slice3A_435 = vector.extract_strided_slice %convert_element_type3A_57 {offsets = [2560, 0], sizes = [256, 64], strides = [1, 1]} : vector<8192x64xbf16> to vector<256x64xbf16>
    %dot_general3A_436 = arith.constant dense<0.000000e+00> : vector<128x256xf32>
    %dot_general3A_437 = tpu.matmul %slice3A_433, %slice3A_434, %dot_general3A_436 {dimension_numbers = #tpu.dot_dimension_numbers<[1], [1], [0], [0], [0, 0, 1, 0], [], []>, transpose_lhs_hint = false} : vector<128x64xbf16>, vector<256x64xbf16>, vector<128x256xf32> -> vector<128x256xf32>
    %convert_element_type3A_438 = arith.truncf %dot_general3A_437 : vector<128x256xf32> to vector<128x256xbf16>
    %get3A_439 = arith.constant 0 : index
    %get3A_440 = arith.constant 0 : index
    %get3A_441 = vector.load %arg6[%get3A_439, %get3A_440] : memref<128x256xbf16, #tpu.memory_space<vmem>>, vector<128x256xbf16>
    %mul3A_442 = arith.mulf %convert_element_type3A_438, %get3A_441 : vector<128x256xbf16>
    %dot_general3A_443 = arith.constant dense<0.000000e+00> : vector<128x64xf32>
    %dot_general3A_444 = tpu.matmul %mul3A_442, %slice3A_435, %dot_general3A_443 {dimension_numbers = #tpu.dot_dimension_numbers<[1], [0], [0], [1], [0, 0, 1, 1], [], []>, transpose_lhs_hint = false} : vector<128x256xbf16>, vector<256x64xbf16>, vector<128x64xf32> -> vector<128x64xf32>
    %swap3A_445 = arith.constant 0 : index
    %swap3A_446 = arith.constant 2688 : index
    %swap3A_447 = arith.constant 0 : index
    %swap3A_448 = vector.load %arg5[%swap3A_445, %swap3A_446, %swap3A_447] : memref<1x8192x64xf32, #tpu.memory_space<vmem>>, vector<1x128x64xf32>
    %swap3A_449 = vector.shape_cast %swap3A_448 : vector<1x128x64xf32> to vector<128x64xf32>
    %swap3A_450 = vector.shape_cast %dot_general3A_444 : vector<128x64xf32> to vector<1x128x64xf32>
    tpu.vector_store %arg5[%swap3A_445, %swap3A_446, %swap3A_447], %swap3A_450 {strides = array<i32>} : memref<1x8192x64xf32, #tpu.memory_space<vmem>>, vector<1x128x64xf32>,
    %slice3A_451 = vector.extract_strided_slice %convert_element_type3A_51 {offsets = [2816, 0], sizes = [128, 64], strides = [1, 1]} : vector<8192x64xbf16> to vector<128x64xbf16>
    %slice3A_452 = vector.extract_strided_slice %convert_element_type3A_51 {offsets = [2688, 0], sizes = [256, 64], strides = [1, 1]} : vector<8192x64xbf16> to vector<256x64xbf16>
    %slice3A_453 = vector.extract_strided_slice %convert_element_type3A_57 {offsets = [2688, 0], sizes = [256, 64], strides = [1, 1]} : vector<8192x64xbf16> to vector<256x64xbf16>
    %dot_general3A_454 = arith.constant dense<0.000000e+00> : vector<128x256xf32>
    %dot_general3A_455 = tpu.matmul %slice3A_451, %slice3A_452, %dot_general3A_454 {dimension_numbers = #tpu.dot_dimension_numbers<[1], [1], [0], [0], [0, 0, 1, 0], [], []>, transpose_lhs_hint = false} : vector<128x64xbf16>, vector<256x64xbf16>, vector<128x256xf32> -> vector<128x256xf32>
    %convert_element_type3A_456 = arith.truncf %dot_general3A_455 : vector<128x256xf32> to vector<128x256xbf16>
    %get3A_457 = arith.constant 0 : index
    %get3A_458 = arith.constant 0 : index
    %get3A_459 = vector.load %arg6[%get3A_457, %get3A_458] : memref<128x256xbf16, #tpu.memory_space<vmem>>, vector<128x256xbf16>
    %mul3A_460 = arith.mulf %convert_element_type3A_456, %get3A_459 : vector<128x256xbf16>
    %dot_general3A_461 = arith.constant dense<0.000000e+00> : vector<128x64xf32>
    %dot_general3A_462 = tpu.matmul %mul3A_460, %slice3A_453, %dot_general3A_461 {dimension_numbers = #tpu.dot_dimension_numbers<[1], [0], [0], [1], [0, 0, 1, 1], [], []>, transpose_lhs_hint = false} : vector<128x256xbf16>, vector<256x64xbf16>, vector<128x64xf32> -> vector<128x64xf32>
    %swap3A_463 = arith.constant 0 : index
    %swap3A_464 = arith.constant 2816 : index
    %swap3A_465 = arith.constant 0 : index
    %swap3A_466 = vector.load %arg5[%swap3A_463, %swap3A_464, %swap3A_465] : memref<1x8192x64xf32, #tpu.memory_space<vmem>>, vector<1x128x64xf32>
    %swap3A_467 = vector.shape_cast %swap3A_466 : vector<1x128x64xf32> to vector<128x64xf32>
    %swap3A_468 = vector.shape_cast %dot_general3A_462 : vector<128x64xf32> to vector<1x128x64xf32>
    tpu.vector_store %arg5[%swap3A_463, %swap3A_464, %swap3A_465], %swap3A_468 {strides = array<i32>} : memref<1x8192x64xf32, #tpu.memory_space<vmem>>, vector<1x128x64xf32>,
    %slice3A_469 = vector.extract_strided_slice %convert_element_type3A_51 {offsets = [2944, 0], sizes = [128, 64], strides = [1, 1]} : vector<8192x64xbf16> to vector<128x64xbf16>
    %slice3A_470 = vector.extract_strided_slice %convert_element_type3A_51 {offsets = [2816, 0], sizes = [256, 64], strides = [1, 1]} : vector<8192x64xbf16> to vector<256x64xbf16>
    %slice3A_471 = vector.extract_strided_slice %convert_element_type3A_57 {offsets = [2816, 0], sizes = [256, 64], strides = [1, 1]} : vector<8192x64xbf16> to vector<256x64xbf16>
    %dot_general3A_472 = arith.constant dense<0.000000e+00> : vector<128x256xf32>
    %dot_general3A_473 = tpu.matmul %slice3A_469, %slice3A_470, %dot_general3A_472 {dimension_numbers = #tpu.dot_dimension_numbers<[1], [1], [0], [0], [0, 0, 1, 0], [], []>, transpose_lhs_hint = false} : vector<128x64xbf16>, vector<256x64xbf16>, vector<128x256xf32> -> vector<128x256xf32>
    %convert_element_type3A_474 = arith.truncf %dot_general3A_473 : vector<128x256xf32> to vector<128x256xbf16>
    %get3A_475 = arith.constant 0 : index
    %get3A_476 = arith.constant 0 : index
    %get3A_477 = vector.load %arg6[%get3A_475, %get3A_476] : memref<128x256xbf16, #tpu.memory_space<vmem>>, vector<128x256xbf16>
    %mul3A_478 = arith.mulf %convert_element_type3A_474, %get3A_477 : vector<128x256xbf16>
    %dot_general3A_479 = arith.constant dense<0.000000e+00> : vector<128x64xf32>
    %dot_general3A_480 = tpu.matmul %mul3A_478, %slice3A_471, %dot_general3A_479 {dimension_numbers = #tpu.dot_dimension_numbers<[1], [0], [0], [1], [0, 0, 1, 1], [], []>, transpose_lhs_hint = false} : vector<128x256xbf16>, vector<256x64xbf16>, vector<128x64xf32> -> vector<128x64xf32>
    %swap3A_481 = arith.constant 0 : index
    %swap3A_482 = arith.constant 2944 : index
    %swap3A_483 = arith.constant 0 : index
    %swap3A_484 = vector.load %arg5[%swap3A_481, %swap3A_482, %swap3A_483] : memref<1x8192x64xf32, #tpu.memory_space<vmem>>, vector<1x128x64xf32>
    %swap3A_485 = vector.shape_cast %swap3A_484 : vector<1x128x64xf32> to vector<128x64xf32>
    %swap3A_486 = vector.shape_cast %dot_general3A_480 : vector<128x64xf32> to vector<1x128x64xf32>
    tpu.vector_store %arg5[%swap3A_481, %swap3A_482, %swap3A_483], %swap3A_486 {strides = array<i32>} : memref<1x8192x64xf32, #tpu.memory_space<vmem>>, vector<1x128x64xf32>,
    %slice3A_487 = vector.extract_strided_slice %convert_element_type3A_51 {offsets = [3072, 0], sizes = [128, 64], strides = [1, 1]} : vector<8192x64xbf16> to vector<128x64xbf16>
    %slice3A_488 = vector.extract_strided_slice %convert_element_type3A_51 {offsets = [2944, 0], sizes = [256, 64], strides = [1, 1]} : vector<8192x64xbf16> to vector<256x64xbf16>
    %slice3A_489 = vector.extract_strided_slice %convert_element_type3A_57 {offsets = [2944, 0], sizes = [256, 64], strides = [1, 1]} : vector<8192x64xbf16> to vector<256x64xbf16>
    %dot_general3A_490 = arith.constant dense<0.000000e+00> : vector<128x256xf32>
    %dot_general3A_491 = tpu.matmul %slice3A_487, %slice3A_488, %dot_general3A_490 {dimension_numbers = #tpu.dot_dimension_numbers<[1], [1], [0], [0], [0, 0, 1, 0], [], []>, transpose_lhs_hint = false} : vector<128x64xbf16>, vector<256x64xbf16>, vector<128x256xf32> -> vector<128x256xf32>
    %convert_element_type3A_492 = arith.truncf %dot_general3A_491 : vector<128x256xf32> to vector<128x256xbf16>
    %get3A_493 = arith.constant 0 : index
    %get3A_494 = arith.constant 0 : index
    %get3A_495 = vector.load %arg6[%get3A_493, %get3A_494] : memref<128x256xbf16, #tpu.memory_space<vmem>>, vector<128x256xbf16>
    %mul3A_496 = arith.mulf %convert_element_type3A_492, %get3A_495 : vector<128x256xbf16>
    %dot_general3A_497 = arith.constant dense<0.000000e+00> : vector<128x64xf32>
    %dot_general3A_498 = tpu.matmul %mul3A_496, %slice3A_489, %dot_general3A_497 {dimension_numbers = #tpu.dot_dimension_numbers<[1], [0], [0], [1], [0, 0, 1, 1], [], []>, transpose_lhs_hint = false} : vector<128x256xbf16>, vector<256x64xbf16>, vector<128x64xf32> -> vector<128x64xf32>
    %swap3A_499 = arith.constant 0 : index
    %swap3A_500 = arith.constant 3072 : index
    %swap3A_501 = arith.constant 0 : index
    %swap3A_502 = vector.load %arg5[%swap3A_499, %swap3A_500, %swap3A_501] : memref<1x8192x64xf32, #tpu.memory_space<vmem>>, vector<1x128x64xf32>
    %swap3A_503 = vector.shape_cast %swap3A_502 : vector<1x128x64xf32> to vector<128x64xf32>
    %swap3A_504 = vector.shape_cast %dot_general3A_498 : vector<128x64xf32> to vector<1x128x64xf32>
    tpu.vector_store %arg5[%swap3A_499, %swap3A_500, %swap3A_501], %swap3A_504 {strides = array<i32>} : memref<1x8192x64xf32, #tpu.memory_space<vmem>>, vector<1x128x64xf32>,
    %slice3A_505 = vector.extract_strided_slice %convert_element_type3A_51 {offsets = [3200, 0], sizes = [128, 64], strides = [1, 1]} : vector<8192x64xbf16> to vector<128x64xbf16>
    %slice3A_506 = vector.extract_strided_slice %convert_element_type3A_51 {offsets = [3072, 0], sizes = [256, 64], strides = [1, 1]} : vector<8192x64xbf16> to vector<256x64xbf16>
    %slice3A_507 = vector.extract_strided_slice %convert_element_type3A_57 {offsets = [3072, 0], sizes = [256, 64], strides = [1, 1]} : vector<8192x64xbf16> to vector<256x64xbf16>
    %dot_general3A_508 = arith.constant dense<0.000000e+00> : vector<128x256xf32>
    %dot_general3A_509 = tpu.matmul %slice3A_505, %slice3A_506, %dot_general3A_508 {dimension_numbers = #tpu.dot_dimension_numbers<[1], [1], [0], [0], [0, 0, 1, 0], [], []>, transpose_lhs_hint = false} : vector<128x64xbf16>, vector<256x64xbf16>, vector<128x256xf32> -> vector<128x256xf32>
    %convert_element_type3A_510 = arith.truncf %dot_general3A_509 : vector<128x256xf32> to vector<128x256xbf16>
    %get3A_511 = arith.constant 0 : index
    %get3A_512 = arith.constant 0 : index
    %get3A_513 = vector.load %arg6[%get3A_511, %get3A_512] : memref<128x256xbf16, #tpu.memory_space<vmem>>, vector<128x256xbf16>
    %mul3A_514 = arith.mulf %convert_element_type3A_510, %get3A_513 : vector<128x256xbf16>
    %dot_general3A_515 = arith.constant dense<0.000000e+00> : vector<128x64xf32>
    %dot_general3A_516 = tpu.matmul %mul3A_514, %slice3A_507, %dot_general3A_515 {dimension_numbers = #tpu.dot_dimension_numbers<[1], [0], [0], [1], [0, 0, 1, 1], [], []>, transpose_lhs_hint = false} : vector<128x256xbf16>, vector<256x64xbf16>, vector<128x64xf32> -> vector<128x64xf32>
    %swap3A_517 = arith.constant 0 : index
    %swap3A_518 = arith.constant 3200 : index
    %swap3A_519 = arith.constant 0 : index
    %swap3A_520 = vector.load %arg5[%swap3A_517, %swap3A_518, %swap3A_519] : memref<1x8192x64xf32, #tpu.memory_space<vmem>>, vector<1x128x64xf32>
    %swap3A_521 = vector.shape_cast %swap3A_520 : vector<1x128x64xf32> to vector<128x64xf32>
    %swap3A_522 = vector.shape_cast %dot_general3A_516 : vector<128x64xf32> to vector<1x128x64xf32>
    tpu.vector_store %arg5[%swap3A_517, %swap3A_518, %swap3A_519], %swap3A_522 {strides = array<i32>} : memref<1x8192x64xf32, #tpu.memory_space<vmem>>, vector<1x128x64xf32>,
    %slice3A_523 = vector.extract_strided_slice %convert_element_type3A_51 {offsets = [3328, 0], sizes = [128, 64], strides = [1, 1]} : vector<8192x64xbf16> to vector<128x64xbf16>
    %slice3A_524 = vector.extract_strided_slice %convert_element_type3A_51 {offsets = [3200, 0], sizes = [256, 64], strides = [1, 1]} : vector<8192x64xbf16> to vector<256x64xbf16>
    %slice3A_525 = vector.extract_strided_slice %convert_element_type3A_57 {offsets = [3200, 0], sizes = [256, 64], strides = [1, 1]} : vector<8192x64xbf16> to vector<256x64xbf16>
    %dot_general3A_526 = arith.constant dense<0.000000e+00> : vector<128x256xf32>
    %dot_general3A_527 = tpu.matmul %slice3A_523, %slice3A_524, %dot_general3A_526 {dimension_numbers = #tpu.dot_dimension_numbers<[1], [1], [0], [0], [0, 0, 1, 0], [], []>, transpose_lhs_hint = false} : vector<128x64xbf16>, vector<256x64xbf16>, vector<128x256xf32> -> vector<128x256xf32>
    %convert_element_type3A_528 = arith.truncf %dot_general3A_527 : vector<128x256xf32> to vector<128x256xbf16>
    %get3A_529 = arith.constant 0 : index
    %get3A_530 = arith.constant 0 : index
    %get3A_531 = vector.load %arg6[%get3A_529, %get3A_530] : memref<128x256xbf16, #tpu.memory_space<vmem>>, vector<128x256xbf16>
    %mul3A_532 = arith.mulf %convert_element_type3A_528, %get3A_531 : vector<128x256xbf16>
    %dot_general3A_533 = arith.constant dense<0.000000e+00> : vector<128x64xf32>
    %dot_general3A_534 = tpu.matmul %mul3A_532, %slice3A_525, %dot_general3A_533 {dimension_numbers = #tpu.dot_dimension_numbers<[1], [0], [0], [1], [0, 0, 1, 1], [], []>, transpose_lhs_hint = false} : vector<128x256xbf16>, vector<256x64xbf16>, vector<128x64xf32> -> vector<128x64xf32>
    %swap3A_535 = arith.constant 0 : index
    %swap3A_536 = arith.constant 3328 : index
    %swap3A_537 = arith.constant 0 : index
    %swap3A_538 = vector.load %arg5[%swap3A_535, %swap3A_536, %swap3A_537] : memref<1x8192x64xf32, #tpu.memory_space<vmem>>, vector<1x128x64xf32>
    %swap3A_539 = vector.shape_cast %swap3A_538 : vector<1x128x64xf32> to vector<128x64xf32>
    %swap3A_540 = vector.shape_cast %dot_general3A_534 : vector<128x64xf32> to vector<1x128x64xf32>
    tpu.vector_store %arg5[%swap3A_535, %swap3A_536, %swap3A_537], %swap3A_540 {strides = array<i32>} : memref<1x8192x64xf32, #tpu.memory_space<vmem>>, vector<1x128x64xf32>,
    %slice3A_541 = vector.extract_strided_slice %convert_element_type3A_51 {offsets = [3456, 0], sizes = [128, 64], strides = [1, 1]} : vector<8192x64xbf16> to vector<128x64xbf16>
    %slice3A_542 = vector.extract_strided_slice %convert_element_type3A_51 {offsets = [3328, 0], sizes = [256, 64], strides = [1, 1]} : vector<8192x64xbf16> to vector<256x64xbf16>
    %slice3A_543 = vector.extract_strided_slice %convert_element_type3A_57 {offsets = [3328, 0], sizes = [256, 64], strides = [1, 1]} : vector<8192x64xbf16> to vector<256x64xbf16>
    %dot_general3A_544 = arith.constant dense<0.000000e+00> : vector<128x256xf32>
    %dot_general3A_545 = tpu.matmul %slice3A_541, %slice3A_542, %dot_general3A_544 {dimension_numbers = #tpu.dot_dimension_numbers<[1], [1], [0], [0], [0, 0, 1, 0], [], []>, transpose_lhs_hint = false} : vector<128x64xbf16>, vector<256x64xbf16>, vector<128x256xf32> -> vector<128x256xf32>
    %convert_element_type3A_546 = arith.truncf %dot_general3A_545 : vector<128x256xf32> to vector<128x256xbf16>
    %get3A_547 = arith.constant 0 : index
    %get3A_548 = arith.constant 0 : index
    %get3A_549 = vector.load %arg6[%get3A_547, %get3A_548] : memref<128x256xbf16, #tpu.memory_space<vmem>>, vector<128x256xbf16>
    %mul3A_550 = arith.mulf %convert_element_type3A_546, %get3A_549 : vector<128x256xbf16>
    %dot_general3A_551 = arith.constant dense<0.000000e+00> : vector<128x64xf32>
    %dot_general3A_552 = tpu.matmul %mul3A_550, %slice3A_543, %dot_general3A_551 {dimension_numbers = #tpu.dot_dimension_numbers<[1], [0], [0], [1], [0, 0, 1, 1], [], []>, transpose_lhs_hint = false} : vector<128x256xbf16>, vector<256x64xbf16>, vector<128x64xf32> -> vector<128x64xf32>
    %swap3A_553 = arith.constant 0 : index
    %swap3A_554 = arith.constant 3456 : index
    %swap3A_555 = arith.constant 0 : index
    %swap3A_556 = vector.load %arg5[%swap3A_553, %swap3A_554, %swap3A_555] : memref<1x8192x64xf32, #tpu.memory_space<vmem>>, vector<1x128x64xf32>
    %swap3A_557 = vector.shape_cast %swap3A_556 : vector<1x128x64xf32> to vector<128x64xf32>
    %swap3A_558 = vector.shape_cast %dot_general3A_552 : vector<128x64xf32> to vector<1x128x64xf32>
    tpu.vector_store %arg5[%swap3A_553, %swap3A_554, %swap3A_555], %swap3A_558 {strides = array<i32>} : memref<1x8192x64xf32, #tpu.memory_space<vmem>>, vector<1x128x64xf32>,
    %slice3A_559 = vector.extract_strided_slice %convert_element_type3A_51 {offsets = [3584, 0], sizes = [128, 64], strides = [1, 1]} : vector<8192x64xbf16> to vector<128x64xbf16>
    %slice3A_560 = vector.extract_strided_slice %convert_element_type3A_51 {offsets = [3456, 0], sizes = [256, 64], strides = [1, 1]} : vector<8192x64xbf16> to vector<256x64xbf16>
    %slice3A_561 = vector.extract_strided_slice %convert_element_type3A_57 {offsets = [3456, 0], sizes = [256, 64], strides = [1, 1]} : vector<8192x64xbf16> to vector<256x64xbf16>
    %dot_general3A_562 = arith.constant dense<0.000000e+00> : vector<128x256xf32>
    %dot_general3A_563 = tpu.matmul %slice3A_559, %slice3A_560, %dot_general3A_562 {dimension_numbers = #tpu.dot_dimension_numbers<[1], [1], [0], [0], [0, 0, 1, 0], [], []>, transpose_lhs_hint = false} : vector<128x64xbf16>, vector<256x64xbf16>, vector<128x256xf32> -> vector<128x256xf32>
    %convert_element_type3A_564 = arith.truncf %dot_general3A_563 : vector<128x256xf32> to vector<128x256xbf16>
    %get3A_565 = arith.constant 0 : index
    %get3A_566 = arith.constant 0 : index
    %get3A_567 = vector.load %arg6[%get3A_565, %get3A_566] : memref<128x256xbf16, #tpu.memory_space<vmem>>, vector<128x256xbf16>
    %mul3A_568 = arith.mulf %convert_element_type3A_564, %get3A_567 : vector<128x256xbf16>
    %dot_general3A_569 = arith.constant dense<0.000000e+00> : vector<128x64xf32>
    %dot_general3A_570 = tpu.matmul %mul3A_568, %slice3A_561, %dot_general3A_569 {dimension_numbers = #tpu.dot_dimension_numbers<[1], [0], [0], [1], [0, 0, 1, 1], [], []>, transpose_lhs_hint = false} : vector<128x256xbf16>, vector<256x64xbf16>, vector<128x64xf32> -> vector<128x64xf32>
    %swap3A_571 = arith.constant 0 : index
    %swap3A_572 = arith.constant 3584 : index
    %swap3A_573 = arith.constant 0 : index
    %swap3A_574 = vector.load %arg5[%swap3A_571, %swap3A_572, %swap3A_573] : memref<1x8192x64xf32, #tpu.memory_space<vmem>>, vector<1x128x64xf32>
    %swap3A_575 = vector.shape_cast %swap3A_574 : vector<1x128x64xf32> to vector<128x64xf32>
    %swap3A_576 = vector.shape_cast %dot_general3A_570 : vector<128x64xf32> to vector<1x128x64xf32>
    tpu.vector_store %arg5[%swap3A_571, %swap3A_572, %swap3A_573], %swap3A_576 {strides = array<i32>} : memref<1x8192x64xf32, #tpu.memory_space<vmem>>, vector<1x128x64xf32>,
    %slice3A_577 = vector.extract_strided_slice %convert_element_type3A_51 {offsets = [3712, 0], sizes = [128, 64], strides = [1, 1]} : vector<8192x64xbf16> to vector<128x64xbf16>
    %slice3A_578 = vector.extract_strided_slice %convert_element_type3A_51 {offsets = [3584, 0], sizes = [256, 64], strides = [1, 1]} : vector<8192x64xbf16> to vector<256x64xbf16>
    %slice3A_579 = vector.extract_strided_slice %convert_element_type3A_57 {offsets = [3584, 0], sizes = [256, 64], strides = [1, 1]} : vector<8192x64xbf16> to vector<256x64xbf16>
    %dot_general3A_580 = arith.constant dense<0.000000e+00> : vector<128x256xf32>
    %dot_general3A_581 = tpu.matmul %slice3A_577, %slice3A_578, %dot_general3A_580 {dimension_numbers = #tpu.dot_dimension_numbers<[1], [1], [0], [0], [0, 0, 1, 0], [], []>, transpose_lhs_hint = false} : vector<128x64xbf16>, vector<256x64xbf16>, vector<128x256xf32> -> vector<128x256xf32>
    %convert_element_type3A_582 = arith.truncf %dot_general3A_581 : vector<128x256xf32> to vector<128x256xbf16>
    %get3A_583 = arith.constant 0 : index
    %get3A_584 = arith.constant 0 : index
    %get3A_585 = vector.load %arg6[%get3A_583, %get3A_584] : memref<128x256xbf16, #tpu.memory_space<vmem>>, vector<128x256xbf16>
    %mul3A_586 = arith.mulf %convert_element_type3A_582, %get3A_585 : vector<128x256xbf16>
    %dot_general3A_587 = arith.constant dense<0.000000e+00> : vector<128x64xf32>
    %dot_general3A_588 = tpu.matmul %mul3A_586, %slice3A_579, %dot_general3A_587 {dimension_numbers = #tpu.dot_dimension_numbers<[1], [0], [0], [1], [0, 0, 1, 1], [], []>, transpose_lhs_hint = false} : vector<128x256xbf16>, vector<256x64xbf16>, vector<128x64xf32> -> vector<128x64xf32>
    %swap3A_589 = arith.constant 0 : index
    %swap3A_590 = arith.constant 3712 : index
    %swap3A_591 = arith.constant 0 : index
    %swap3A_592 = vector.load %arg5[%swap3A_589, %swap3A_590, %swap3A_591] : memref<1x8192x64xf32, #tpu.memory_space<vmem>>, vector<1x128x64xf32>
    %swap3A_593 = vector.shape_cast %swap3A_592 : vector<1x128x64xf32> to vector<128x64xf32>
    %swap3A_594 = vector.shape_cast %dot_general3A_588 : vector<128x64xf32> to vector<1x128x64xf32>
    tpu.vector_store %arg5[%swap3A_589, %swap3A_590, %swap3A_591], %swap3A_594 {strides = array<i32>} : memref<1x8192x64xf32, #tpu.memory_space<vmem>>, vector<1x128x64xf32>,
    %slice3A_595 = vector.extract_strided_slice %convert_element_type3A_51 {offsets = [3840, 0], sizes = [128, 64], strides = [1, 1]} : vector<8192x64xbf16> to vector<128x64xbf16>
    %slice3A_596 = vector.extract_strided_slice %convert_element_type3A_51 {offsets = [3712, 0], sizes = [256, 64], strides = [1, 1]} : vector<8192x64xbf16> to vector<256x64xbf16>
    %slice3A_597 = vector.extract_strided_slice %convert_element_type3A_57 {offsets = [3712, 0], sizes = [256, 64], strides = [1, 1]} : vector<8192x64xbf16> to vector<256x64xbf16>
    %dot_general3A_598 = arith.constant dense<0.000000e+00> : vector<128x256xf32>
    %dot_general3A_599 = tpu.matmul %slice3A_595, %slice3A_596, %dot_general3A_598 {dimension_numbers = #tpu.dot_dimension_numbers<[1], [1], [0], [0], [0, 0, 1, 0], [], []>, transpose_lhs_hint = false} : vector<128x64xbf16>, vector<256x64xbf16>, vector<128x256xf32> -> vector<128x256xf32>
    %convert_element_type3A_600 = arith.truncf %dot_general3A_599 : vector<128x256xf32> to vector<128x256xbf16>
    %get3A_601 = arith.constant 0 : index
    %get3A_602 = arith.constant 0 : index
    %get3A_603 = vector.load %arg6[%get3A_601, %get3A_602] : memref<128x256xbf16, #tpu.memory_space<vmem>>, vector<128x256xbf16>
    %mul3A_604 = arith.mulf %convert_element_type3A_600, %get3A_603 : vector<128x256xbf16>
    %dot_general3A_605 = arith.constant dense<0.000000e+00> : vector<128x64xf32>
    %dot_general3A_606 = tpu.matmul %mul3A_604, %slice3A_597, %dot_general3A_605 {dimension_numbers = #tpu.dot_dimension_numbers<[1], [0], [0], [1], [0, 0, 1, 1], [], []>, transpose_lhs_hint = false} : vector<128x256xbf16>, vector<256x64xbf16>, vector<128x64xf32> -> vector<128x64xf32>
    %swap3A_607 = arith.constant 0 : index
    %swap3A_608 = arith.constant 3840 : index
    %swap3A_609 = arith.constant 0 : index
    %swap3A_610 = vector.load %arg5[%swap3A_607, %swap3A_608, %swap3A_609] : memref<1x8192x64xf32, #tpu.memory_space<vmem>>, vector<1x128x64xf32>
    %swap3A_611 = vector.shape_cast %swap3A_610 : vector<1x128x64xf32> to vector<128x64xf32>
    %swap3A_612 = vector.shape_cast %dot_general3A_606 : vector<128x64xf32> to vector<1x128x64xf32>
    tpu.vector_store %arg5[%swap3A_607, %swap3A_608, %swap3A_609], %swap3A_612 {strides = array<i32>} : memref<1x8192x64xf32, #tpu.memory_space<vmem>>, vector<1x128x64xf32>,
    %slice3A_613 = vector.extract_strided_slice %convert_element_type3A_51 {offsets = [3968, 0], sizes = [128, 64], strides = [1, 1]} : vector<8192x64xbf16> to vector<128x64xbf16>
    %slice3A_614 = vector.extract_strided_slice %convert_element_type3A_51 {offsets = [3840, 0], sizes = [256, 64], strides = [1, 1]} : vector<8192x64xbf16> to vector<256x64xbf16>
    %slice3A_615 = vector.extract_strided_slice %convert_element_type3A_57 {offsets = [3840, 0], sizes = [256, 64], strides = [1, 1]} : vector<8192x64xbf16> to vector<256x64xbf16>
    %dot_general3A_616 = arith.constant dense<0.000000e+00> : vector<128x256xf32>
    %dot_general3A_617 = tpu.matmul %slice3A_613, %slice3A_614, %dot_general3A_616 {dimension_numbers = #tpu.dot_dimension_numbers<[1], [1], [0], [0], [0, 0, 1, 0], [], []>, transpose_lhs_hint = false} : vector<128x64xbf16>, vector<256x64xbf16>, vector<128x256xf32> -> vector<128x256xf32>
    %convert_element_type3A_618 = arith.truncf %dot_general3A_617 : vector<128x256xf32> to vector<128x256xbf16>
    %get3A_619 = arith.constant 0 : index
    %get3A_620 = arith.constant 0 : index
    %get3A_621 = vector.load %arg6[%get3A_619, %get3A_620] : memref<128x256xbf16, #tpu.memory_space<vmem>>, vector<128x256xbf16>
    %mul3A_622 = arith.mulf %convert_element_type3A_618, %get3A_621 : vector<128x256xbf16>
    %dot_general3A_623 = arith.constant dense<0.000000e+00> : vector<128x64xf32>
    %dot_general3A_624 = tpu.matmul %mul3A_622, %slice3A_615, %dot_general3A_623 {dimension_numbers = #tpu.dot_dimension_numbers<[1], [0], [0], [1], [0, 0, 1, 1], [], []>, transpose_lhs_hint = false} : vector<128x256xbf16>, vector<256x64xbf16>, vector<128x64xf32> -> vector<128x64xf32>
    %swap3A_625 = arith.constant 0 : index
    %swap3A_626 = arith.constant 3968 : index
    %swap3A_627 = arith.constant 0 : index
    %swap3A_628 = vector.load %arg5[%swap3A_625, %swap3A_626, %swap3A_627] : memref<1x8192x64xf32, #tpu.memory_space<vmem>>, vector<1x128x64xf32>
    %swap3A_629 = vector.shape_cast %swap3A_628 : vector<1x128x64xf32> to vector<128x64xf32>
    %swap3A_630 = vector.shape_cast %dot_general3A_624 : vector<128x64xf32> to vector<1x128x64xf32>
    tpu.vector_store %arg5[%swap3A_625, %swap3A_626, %swap3A_627], %swap3A_630 {strides = array<i32>} : memref<1x8192x64xf32, #tpu.memory_space<vmem>>, vector<1x128x64xf32>,
    %slice3A_631 = vector.extract_strided_slice %convert_element_type3A_51 {offsets = [4096, 0], sizes = [128, 64], strides = [1, 1]} : vector<8192x64xbf16> to vector<128x64xbf16>
    %slice3A_632 = vector.extract_strided_slice %convert_element_type3A_51 {offsets = [3968, 0], sizes = [256, 64], strides = [1, 1]} : vector<8192x64xbf16> to vector<256x64xbf16>
    %slice3A_633 = vector.extract_strided_slice %convert_element_type3A_57 {offsets = [3968, 0], sizes = [256, 64], strides = [1, 1]} : vector<8192x64xbf16> to vector<256x64xbf16>
    %dot_general3A_634 = arith.constant dense<0.000000e+00> : vector<128x256xf32>
    %dot_general3A_635 = tpu.matmul %slice3A_631, %slice3A_632, %dot_general3A_634 {dimension_numbers = #tpu.dot_dimension_numbers<[1], [1], [0], [0], [0, 0, 1, 0], [], []>, transpose_lhs_hint = false} : vector<128x64xbf16>, vector<256x64xbf16>, vector<128x256xf32> -> vector<128x256xf32>
    %convert_element_type3A_636 = arith.truncf %dot_general3A_635 : vector<128x256xf32> to vector<128x256xbf16>
    %get3A_637 = arith.constant 0 : index
    %get3A_638 = arith.constant 0 : index
    %get3A_639 = vector.load %arg6[%get3A_637, %get3A_638] : memref<128x256xbf16, #tpu.memory_space<vmem>>, vector<128x256xbf16>
    %mul3A_640 = arith.mulf %convert_element_type3A_636, %get3A_639 : vector<128x256xbf16>
    %dot_general3A_641 = arith.constant dense<0.000000e+00> : vector<128x64xf32>
    %dot_general3A_642 = tpu.matmul %mul3A_640, %slice3A_633, %dot_general3A_641 {dimension_numbers = #tpu.dot_dimension_numbers<[1], [0], [0], [1], [0, 0, 1, 1], [], []>, transpose_lhs_hint = false} : vector<128x256xbf16>, vector<256x64xbf16>, vector<128x64xf32> -> vector<128x64xf32>
    %swap3A_643 = arith.constant 0 : index
    %swap3A_644 = arith.constant 4096 : index
    %swap3A_645 = arith.constant 0 : index
    %swap3A_646 = vector.load %arg5[%swap3A_643, %swap3A_644, %swap3A_645] : memref<1x8192x64xf32, #tpu.memory_space<vmem>>, vector<1x128x64xf32>
    %swap3A_647 = vector.shape_cast %swap3A_646 : vector<1x128x64xf32> to vector<128x64xf32>
    %swap3A_648 = vector.shape_cast %dot_general3A_642 : vector<128x64xf32> to vector<1x128x64xf32>
    tpu.vector_store %arg5[%swap3A_643, %swap3A_644, %swap3A_645], %swap3A_648 {strides = array<i32>} : memref<1x8192x64xf32, #tpu.memory_space<vmem>>, vector<1x128x64xf32>,
    %slice3A_649 = vector.extract_strided_slice %convert_element_type3A_51 {offsets = [4224, 0], sizes = [128, 64], strides = [1, 1]} : vector<8192x64xbf16> to vector<128x64xbf16>
    %slice3A_650 = vector.extract_strided_slice %convert_element_type3A_51 {offsets = [4096, 0], sizes = [256, 64], strides = [1, 1]} : vector<8192x64xbf16> to vector<256x64xbf16>
    %slice3A_651 = vector.extract_strided_slice %convert_element_type3A_57 {offsets = [4096, 0], sizes = [256, 64], strides = [1, 1]} : vector<8192x64xbf16> to vector<256x64xbf16>
    %dot_general3A_652 = arith.constant dense<0.000000e+00> : vector<128x256xf32>
    %dot_general3A_653 = tpu.matmul %slice3A_649, %slice3A_650, %dot_general3A_652 {dimension_numbers = #tpu.dot_dimension_numbers<[1], [1], [0], [0], [0, 0, 1, 0], [], []>, transpose_lhs_hint = false} : vector<128x64xbf16>, vector<256x64xbf16>, vector<128x256xf32> -> vector<128x256xf32>
    %convert_element_type3A_654 = arith.truncf %dot_general3A_653 : vector<128x256xf32> to vector<128x256xbf16>
    %get3A_655 = arith.constant 0 : index
    %get3A_656 = arith.constant 0 : index
    %get3A_657 = vector.load %arg6[%get3A_655, %get3A_656] : memref<128x256xbf16, #tpu.memory_space<vmem>>, vector<128x256xbf16>
    %mul3A_658 = arith.mulf %convert_element_type3A_654, %get3A_657 : vector<128x256xbf16>
    %dot_general3A_659 = arith.constant dense<0.000000e+00> : vector<128x64xf32>
    %dot_general3A_660 = tpu.matmul %mul3A_658, %slice3A_651, %dot_general3A_659 {dimension_numbers = #tpu.dot_dimension_numbers<[1], [0], [0], [1], [0, 0, 1, 1], [], []>, transpose_lhs_hint = false} : vector<128x256xbf16>, vector<256x64xbf16>, vector<128x64xf32> -> vector<128x64xf32>
    %swap3A_661 = arith.constant 0 : index
    %swap3A_662 = arith.constant 4224 : index
    %swap3A_663 = arith.constant 0 : index
    %swap3A_664 = vector.load %arg5[%swap3A_661, %swap3A_662, %swap3A_663] : memref<1x8192x64xf32, #tpu.memory_space<vmem>>, vector<1x128x64xf32>
    %swap3A_665 = vector.shape_cast %swap3A_664 : vector<1x128x64xf32> to vector<128x64xf32>
    %swap3A_666 = vector.shape_cast %dot_general3A_660 : vector<128x64xf32> to vector<1x128x64xf32>
    tpu.vector_store %arg5[%swap3A_661, %swap3A_662, %swap3A_663], %swap3A_666 {strides = array<i32>} : memref<1x8192x64xf32, #tpu.memory_space<vmem>>, vector<1x128x64xf32>,
    %slice3A_667 = vector.extract_strided_slice %convert_element_type3A_51 {offsets = [4352, 0], sizes = [128, 64], strides = [1, 1]} : vector<8192x64xbf16> to vector<128x64xbf16>
    %slice3A_668 = vector.extract_strided_slice %convert_element_type3A_51 {offsets = [4224, 0], sizes = [256, 64], strides = [1, 1]} : vector<8192x64xbf16> to vector<256x64xbf16>
    %slice3A_669 = vector.extract_strided_slice %convert_element_type3A_57 {offsets = [4224, 0], sizes = [256, 64], strides = [1, 1]} : vector<8192x64xbf16> to vector<256x64xbf16>
    %dot_general3A_670 = arith.constant dense<0.000000e+00> : vector<128x256xf32>
    %dot_general3A_671 = tpu.matmul %slice3A_667, %slice3A_668, %dot_general3A_670 {dimension_numbers = #tpu.dot_dimension_numbers<[1], [1], [0], [0], [0, 0, 1, 0], [], []>, transpose_lhs_hint = false} : vector<128x64xbf16>, vector<256x64xbf16>, vector<128x256xf32> -> vector<128x256xf32>
    %convert_element_type3A_672 = arith.truncf %dot_general3A_671 : vector<128x256xf32> to vector<128x256xbf16>
    %get3A_673 = arith.constant 0 : index
    %get3A_674 = arith.constant 0 : index
    %get3A_675 = vector.load %arg6[%get3A_673, %get3A_674] : memref<128x256xbf16, #tpu.memory_space<vmem>>, vector<128x256xbf16>
    %mul3A_676 = arith.mulf %convert_element_type3A_672, %get3A_675 : vector<128x256xbf16>
    %dot_general3A_677 = arith.constant dense<0.000000e+00> : vector<128x64xf32>
    %dot_general3A_678 = tpu.matmul %mul3A_676, %slice3A_669, %dot_general3A_677 {dimension_numbers = #tpu.dot_dimension_numbers<[1], [0], [0], [1], [0, 0, 1, 1], [], []>, transpose_lhs_hint = false} : vector<128x256xbf16>, vector<256x64xbf16>, vector<128x64xf32> -> vector<128x64xf32>
    %swap3A_679 = arith.constant 0 : index
    %swap3A_680 = arith.constant 4352 : index
    %swap3A_681 = arith.constant 0 : index
    %swap3A_682 = vector.load %arg5[%swap3A_679, %swap3A_680, %swap3A_681] : memref<1x8192x64xf32, #tpu.memory_space<vmem>>, vector<1x128x64xf32>
    %swap3A_683 = vector.shape_cast %swap3A_682 : vector<1x128x64xf32> to vector<128x64xf32>
    %swap3A_684 = vector.shape_cast %dot_general3A_678 : vector<128x64xf32> to vector<1x128x64xf32>
    tpu.vector_store %arg5[%swap3A_679, %swap3A_680, %swap3A_681], %swap3A_684 {strides = array<i32>} : memref<1x8192x64xf32, #tpu.memory_space<vmem>>, vector<1x128x64xf32>,
    %slice3A_685 = vector.extract_strided_slice %convert_element_type3A_51 {offsets = [4480, 0], sizes = [128, 64], strides = [1, 1]} : vector<8192x64xbf16> to vector<128x64xbf16>
    %slice3A_686 = vector.extract_strided_slice %convert_element_type3A_51 {offsets = [4352, 0], sizes = [256, 64], strides = [1, 1]} : vector<8192x64xbf16> to vector<256x64xbf16>
    %slice3A_687 = vector.extract_strided_slice %convert_element_type3A_57 {offsets = [4352, 0], sizes = [256, 64], strides = [1, 1]} : vector<8192x64xbf16> to vector<256x64xbf16>
    %dot_general3A_688 = arith.constant dense<0.000000e+00> : vector<128x256xf32>
    %dot_general3A_689 = tpu.matmul %slice3A_685, %slice3A_686, %dot_general3A_688 {dimension_numbers = #tpu.dot_dimension_numbers<[1], [1], [0], [0], [0, 0, 1, 0], [], []>, transpose_lhs_hint = false} : vector<128x64xbf16>, vector<256x64xbf16>, vector<128x256xf32> -> vector<128x256xf32>
    %convert_element_type3A_690 = arith.truncf %dot_general3A_689 : vector<128x256xf32> to vector<128x256xbf16>
    %get3A_691 = arith.constant 0 : index
    %get3A_692 = arith.constant 0 : index
    %get3A_693 = vector.load %arg6[%get3A_691, %get3A_692] : memref<128x256xbf16, #tpu.memory_space<vmem>>, vector<128x256xbf16>
    %mul3A_694 = arith.mulf %convert_element_type3A_690, %get3A_693 : vector<128x256xbf16>
    %dot_general3A_695 = arith.constant dense<0.000000e+00> : vector<128x64xf32>
    %dot_general3A_696 = tpu.matmul %mul3A_694, %slice3A_687, %dot_general3A_695 {dimension_numbers = #tpu.dot_dimension_numbers<[1], [0], [0], [1], [0, 0, 1, 1], [], []>, transpose_lhs_hint = false} : vector<128x256xbf16>, vector<256x64xbf16>, vector<128x64xf32> -> vector<128x64xf32>
    %swap3A_697 = arith.constant 0 : index
    %swap3A_698 = arith.constant 4480 : index
    %swap3A_699 = arith.constant 0 : index
    %swap3A_700 = vector.load %arg5[%swap3A_697, %swap3A_698, %swap3A_699] : memref<1x8192x64xf32, #tpu.memory_space<vmem>>, vector<1x128x64xf32>
    %swap3A_701 = vector.shape_cast %swap3A_700 : vector<1x128x64xf32> to vector<128x64xf32>
    %swap3A_702 = vector.shape_cast %dot_general3A_696 : vector<128x64xf32> to vector<1x128x64xf32>
    tpu.vector_store %arg5[%swap3A_697, %swap3A_698, %swap3A_699], %swap3A_702 {strides = array<i32>} : memref<1x8192x64xf32, #tpu.memory_space<vmem>>, vector<1x128x64xf32>,
    %slice3A_703 = vector.extract_strided_slice %convert_element_type3A_51 {offsets = [4608, 0], sizes = [128, 64], strides = [1, 1]} : vector<8192x64xbf16> to vector<128x64xbf16>
    %slice3A_704 = vector.extract_strided_slice %convert_element_type3A_51 {offsets = [4480, 0], sizes = [256, 64], strides = [1, 1]} : vector<8192x64xbf16> to vector<256x64xbf16>
    %slice3A_705 = vector.extract_strided_slice %convert_element_type3A_57 {offsets = [4480, 0], sizes = [256, 64], strides = [1, 1]} : vector<8192x64xbf16> to vector<256x64xbf16>
    %dot_general3A_706 = arith.constant dense<0.000000e+00> : vector<128x256xf32>
    %dot_general3A_707 = tpu.matmul %slice3A_703, %slice3A_704, %dot_general3A_706 {dimension_numbers = #tpu.dot_dimension_numbers<[1], [1], [0], [0], [0, 0, 1, 0], [], []>, transpose_lhs_hint = false} : vector<128x64xbf16>, vector<256x64xbf16>, vector<128x256xf32> -> vector<128x256xf32>
    %convert_element_type3A_708 = arith.truncf %dot_general3A_707 : vector<128x256xf32> to vector<128x256xbf16>
    %get3A_709 = arith.constant 0 : index
    %get3A_710 = arith.constant 0 : index
    %get3A_711 = vector.load %arg6[%get3A_709, %get3A_710] : memref<128x256xbf16, #tpu.memory_space<vmem>>, vector<128x256xbf16>
    %mul3A_712 = arith.mulf %convert_element_type3A_708, %get3A_711 : vector<128x256xbf16>
    %dot_general3A_713 = arith.constant dense<0.000000e+00> : vector<128x64xf32>
    %dot_general3A_714 = tpu.matmul %mul3A_712, %slice3A_705, %dot_general3A_713 {dimension_numbers = #tpu.dot_dimension_numbers<[1], [0], [0], [1], [0, 0, 1, 1], [], []>, transpose_lhs_hint = false} : vector<128x256xbf16>, vector<256x64xbf16>, vector<128x64xf32> -> vector<128x64xf32>
    %swap3A_715 = arith.constant 0 : index
    %swap3A_716 = arith.constant 4608 : index
    %swap3A_717 = arith.constant 0 : index
    %swap3A_718 = vector.load %arg5[%swap3A_715, %swap3A_716, %swap3A_717] : memref<1x8192x64xf32, #tpu.memory_space<vmem>>, vector<1x128x64xf32>
    %swap3A_719 = vector.shape_cast %swap3A_718 : vector<1x128x64xf32> to vector<128x64xf32>
    %swap3A_720 = vector.shape_cast %dot_general3A_714 : vector<128x64xf32> to vector<1x128x64xf32>
    tpu.vector_store %arg5[%swap3A_715, %swap3A_716, %swap3A_717], %swap3A_720 {strides = array<i32>} : memref<1x8192x64xf32, #tpu.memory_space<vmem>>, vector<1x128x64xf32>,
    %slice3A_721 = vector.extract_strided_slice %convert_element_type3A_51 {offsets = [4736, 0], sizes = [128, 64], strides = [1, 1]} : vector<8192x64xbf16> to vector<128x64xbf16>
    %slice3A_722 = vector.extract_strided_slice %convert_element_type3A_51 {offsets = [4608, 0], sizes = [256, 64], strides = [1, 1]} : vector<8192x64xbf16> to vector<256x64xbf16>
    %slice3A_723 = vector.extract_strided_slice %convert_element_type3A_57 {offsets = [4608, 0], sizes = [256, 64], strides = [1, 1]} : vector<8192x64xbf16> to vector<256x64xbf16>
    %dot_general3A_724 = arith.constant dense<0.000000e+00> : vector<128x256xf32>
    %dot_general3A_725 = tpu.matmul %slice3A_721, %slice3A_722, %dot_general3A_724 {dimension_numbers = #tpu.dot_dimension_numbers<[1], [1], [0], [0], [0, 0, 1, 0], [], []>, transpose_lhs_hint = false} : vector<128x64xbf16>, vector<256x64xbf16>, vector<128x256xf32> -> vector<128x256xf32>
    %convert_element_type3A_726 = arith.truncf %dot_general3A_725 : vector<128x256xf32> to vector<128x256xbf16>
    %get3A_727 = arith.constant 0 : index
    %get3A_728 = arith.constant 0 : index
    %get3A_729 = vector.load %arg6[%get3A_727, %get3A_728] : memref<128x256xbf16, #tpu.memory_space<vmem>>, vector<128x256xbf16>
    %mul3A_730 = arith.mulf %convert_element_type3A_726, %get3A_729 : vector<128x256xbf16>
    %dot_general3A_731 = arith.constant dense<0.000000e+00> : vector<128x64xf32>
    %dot_general3A_732 = tpu.matmul %mul3A_730, %slice3A_723, %dot_general3A_731 {dimension_numbers = #tpu.dot_dimension_numbers<[1], [0], [0], [1], [0, 0, 1, 1], [], []>, transpose_lhs_hint = false} : vector<128x256xbf16>, vector<256x64xbf16>, vector<128x64xf32> -> vector<128x64xf32>
    %swap3A_733 = arith.constant 0 : index
    %swap3A_734 = arith.constant 4736 : index
    %swap3A_735 = arith.constant 0 : index
    %swap3A_736 = vector.load %arg5[%swap3A_733, %swap3A_734, %swap3A_735] : memref<1x8192x64xf32, #tpu.memory_space<vmem>>, vector<1x128x64xf32>
    %swap3A_737 = vector.shape_cast %swap3A_736 : vector<1x128x64xf32> to vector<128x64xf32>
    %swap3A_738 = vector.shape_cast %dot_general3A_732 : vector<128x64xf32> to vector<1x128x64xf32>
    tpu.vector_store %arg5[%swap3A_733, %swap3A_734, %swap3A_735], %swap3A_738 {strides = array<i32>} : memref<1x8192x64xf32, #tpu.memory_space<vmem>>, vector<1x128x64xf32>,
    %slice3A_739 = vector.extract_strided_slice %convert_element_type3A_51 {offsets = [4864, 0], sizes = [128, 64], strides = [1, 1]} : vector<8192x64xbf16> to vector<128x64xbf16>
    %slice3A_740 = vector.extract_strided_slice %convert_element_type3A_51 {offsets = [4736, 0], sizes = [256, 64], strides = [1, 1]} : vector<8192x64xbf16> to vector<256x64xbf16>
    %slice3A_741 = vector.extract_strided_slice %convert_element_type3A_57 {offsets = [4736, 0], sizes = [256, 64], strides = [1, 1]} : vector<8192x64xbf16> to vector<256x64xbf16>
    %dot_general3A_742 = arith.constant dense<0.000000e+00> : vector<128x256xf32>
    %dot_general3A_743 = tpu.matmul %slice3A_739, %slice3A_740, %dot_general3A_742 {dimension_numbers = #tpu.dot_dimension_numbers<[1], [1], [0], [0], [0, 0, 1, 0], [], []>, transpose_lhs_hint = false} : vector<128x64xbf16>, vector<256x64xbf16>, vector<128x256xf32> -> vector<128x256xf32>
    %convert_element_type3A_744 = arith.truncf %dot_general3A_743 : vector<128x256xf32> to vector<128x256xbf16>
    %get3A_745 = arith.constant 0 : index
    %get3A_746 = arith.constant 0 : index
    %get3A_747 = vector.load %arg6[%get3A_745, %get3A_746] : memref<128x256xbf16, #tpu.memory_space<vmem>>, vector<128x256xbf16>
    %mul3A_748 = arith.mulf %convert_element_type3A_744, %get3A_747 : vector<128x256xbf16>
    %dot_general3A_749 = arith.constant dense<0.000000e+00> : vector<128x64xf32>
    %dot_general3A_750 = tpu.matmul %mul3A_748, %slice3A_741, %dot_general3A_749 {dimension_numbers = #tpu.dot_dimension_numbers<[1], [0], [0], [1], [0, 0, 1, 1], [], []>, transpose_lhs_hint = false} : vector<128x256xbf16>, vector<256x64xbf16>, vector<128x64xf32> -> vector<128x64xf32>
    %swap3A_751 = arith.constant 0 : index
    %swap3A_752 = arith.constant 4864 : index
    %swap3A_753 = arith.constant 0 : index
    %swap3A_754 = vector.load %arg5[%swap3A_751, %swap3A_752, %swap3A_753] : memref<1x8192x64xf32, #tpu.memory_space<vmem>>, vector<1x128x64xf32>
    %swap3A_755 = vector.shape_cast %swap3A_754 : vector<1x128x64xf32> to vector<128x64xf32>
    %swap3A_756 = vector.shape_cast %dot_general3A_750 : vector<128x64xf32> to vector<1x128x64xf32>
    tpu.vector_store %arg5[%swap3A_751, %swap3A_752, %swap3A_753], %swap3A_756 {strides = array<i32>} : memref<1x8192x64xf32, #tpu.memory_space<vmem>>, vector<1x128x64xf32>,
    %slice3A_757 = vector.extract_strided_slice %convert_element_type3A_51 {offsets = [4992, 0], sizes = [128, 64], strides = [1, 1]} : vector<8192x64xbf16> to vector<128x64xbf16>
    %slice3A_758 = vector.extract_strided_slice %convert_element_type3A_51 {offsets = [4864, 0], sizes = [256, 64], strides = [1, 1]} : vector<8192x64xbf16> to vector<256x64xbf16>
    %slice3A_759 = vector.extract_strided_slice %convert_element_type3A_57 {offsets = [4864, 0], sizes = [256, 64], strides = [1, 1]} : vector<8192x64xbf16> to vector<256x64xbf16>
    %dot_general3A_760 = arith.constant dense<0.000000e+00> : vector<128x256xf32>
    %dot_general3A_761 = tpu.matmul %slice3A_757, %slice3A_758, %dot_general3A_760 {dimension_numbers = #tpu.dot_dimension_numbers<[1], [1], [0], [0], [0, 0, 1, 0], [], []>, transpose_lhs_hint = false} : vector<128x64xbf16>, vector<256x64xbf16>, vector<128x256xf32> -> vector<128x256xf32>
    %convert_element_type3A_762 = arith.truncf %dot_general3A_761 : vector<128x256xf32> to vector<128x256xbf16>
    %get3A_763 = arith.constant 0 : index
    %get3A_764 = arith.constant 0 : index
    %get3A_765 = vector.load %arg6[%get3A_763, %get3A_764] : memref<128x256xbf16, #tpu.memory_space<vmem>>, vector<128x256xbf16>
    %mul3A_766 = arith.mulf %convert_element_type3A_762, %get3A_765 : vector<128x256xbf16>
    %dot_general3A_767 = arith.constant dense<0.000000e+00> : vector<128x64xf32>
    %dot_general3A_768 = tpu.matmul %mul3A_766, %slice3A_759, %dot_general3A_767 {dimension_numbers = #tpu.dot_dimension_numbers<[1], [0], [0], [1], [0, 0, 1, 1], [], []>, transpose_lhs_hint = false} : vector<128x256xbf16>, vector<256x64xbf16>, vector<128x64xf32> -> vector<128x64xf32>
    %swap3A_769 = arith.constant 0 : index
    %swap3A_770 = arith.constant 4992 : index
    %swap3A_771 = arith.constant 0 : index
    %swap3A_772 = vector.load %arg5[%swap3A_769, %swap3A_770, %swap3A_771] : memref<1x8192x64xf32, #tpu.memory_space<vmem>>, vector<1x128x64xf32>
    %swap3A_773 = vector.shape_cast %swap3A_772 : vector<1x128x64xf32> to vector<128x64xf32>
    %swap3A_774 = vector.shape_cast %dot_general3A_768 : vector<128x64xf32> to vector<1x128x64xf32>
    tpu.vector_store %arg5[%swap3A_769, %swap3A_770, %swap3A_771], %swap3A_774 {strides = array<i32>} : memref<1x8192x64xf32, #tpu.memory_space<vmem>>, vector<1x128x64xf32>,
    %slice3A_775 = vector.extract_strided_slice %convert_element_type3A_51 {offsets = [5120, 0], sizes = [128, 64], strides = [1, 1]} : vector<8192x64xbf16> to vector<128x64xbf16>
    %slice3A_776 = vector.extract_strided_slice %convert_element_type3A_51 {offsets = [4992, 0], sizes = [256, 64], strides = [1, 1]} : vector<8192x64xbf16> to vector<256x64xbf16>
    %slice3A_777 = vector.extract_strided_slice %convert_element_type3A_57 {offsets = [4992, 0], sizes = [256, 64], strides = [1, 1]} : vector<8192x64xbf16> to vector<256x64xbf16>
    %dot_general3A_778 = arith.constant dense<0.000000e+00> : vector<128x256xf32>
    %dot_general3A_779 = tpu.matmul %slice3A_775, %slice3A_776, %dot_general3A_778 {dimension_numbers = #tpu.dot_dimension_numbers<[1], [1], [0], [0], [0, 0, 1, 0], [], []>, transpose_lhs_hint = false} : vector<128x64xbf16>, vector<256x64xbf16>, vector<128x256xf32> -> vector<128x256xf32>
    %convert_element_type3A_780 = arith.truncf %dot_general3A_779 : vector<128x256xf32> to vector<128x256xbf16>
    %get3A_781 = arith.constant 0 : index
    %get3A_782 = arith.constant 0 : index
    %get3A_783 = vector.load %arg6[%get3A_781, %get3A_782] : memref<128x256xbf16, #tpu.memory_space<vmem>>, vector<128x256xbf16>
    %mul3A_784 = arith.mulf %convert_element_type3A_780, %get3A_783 : vector<128x256xbf16>
    %dot_general3A_785 = arith.constant dense<0.000000e+00> : vector<128x64xf32>
    %dot_general3A_786 = tpu.matmul %mul3A_784, %slice3A_777, %dot_general3A_785 {dimension_numbers = #tpu.dot_dimension_numbers<[1], [0], [0], [1], [0, 0, 1, 1], [], []>, transpose_lhs_hint = false} : vector<128x256xbf16>, vector<256x64xbf16>, vector<128x64xf32> -> vector<128x64xf32>
    %swap3A_787 = arith.constant 0 : index
    %swap3A_788 = arith.constant 5120 : index
    %swap3A_789 = arith.constant 0 : index
    %swap3A_790 = vector.load %arg5[%swap3A_787, %swap3A_788, %swap3A_789] : memref<1x8192x64xf32, #tpu.memory_space<vmem>>, vector<1x128x64xf32>
    %swap3A_791 = vector.shape_cast %swap3A_790 : vector<1x128x64xf32> to vector<128x64xf32>
    %swap3A_792 = vector.shape_cast %dot_general3A_786 : vector<128x64xf32> to vector<1x128x64xf32>
    tpu.vector_store %arg5[%swap3A_787, %swap3A_788, %swap3A_789], %swap3A_792 {strides = array<i32>} : memref<1x8192x64xf32, #tpu.memory_space<vmem>>, vector<1x128x64xf32>,
    %slice3A_793 = vector.extract_strided_slice %convert_element_type3A_51 {offsets = [5248, 0], sizes = [128, 64], strides = [1, 1]} : vector<8192x64xbf16> to vector<128x64xbf16>
    %slice3A_794 = vector.extract_strided_slice %convert_element_type3A_51 {offsets = [5120, 0], sizes = [256, 64], strides = [1, 1]} : vector<8192x64xbf16> to vector<256x64xbf16>
    %slice3A_795 = vector.extract_strided_slice %convert_element_type3A_57 {offsets = [5120, 0], sizes = [256, 64], strides = [1, 1]} : vector<8192x64xbf16> to vector<256x64xbf16>
    %dot_general3A_796 = arith.constant dense<0.000000e+00> : vector<128x256xf32>
    %dot_general3A_797 = tpu.matmul %slice3A_793, %slice3A_794, %dot_general3A_796 {dimension_numbers = #tpu.dot_dimension_numbers<[1], [1], [0], [0], [0, 0, 1, 0], [], []>, transpose_lhs_hint = false} : vector<128x64xbf16>, vector<256x64xbf16>, vector<128x256xf32> -> vector<128x256xf32>
    %convert_element_type3A_798 = arith.truncf %dot_general3A_797 : vector<128x256xf32> to vector<128x256xbf16>
    %get3A_799 = arith.constant 0 : index
    %get3A_800 = arith.constant 0 : index
    %get3A_801 = vector.load %arg6[%get3A_799, %get3A_800] : memref<128x256xbf16, #tpu.memory_space<vmem>>, vector<128x256xbf16>
    %mul3A_802 = arith.mulf %convert_element_type3A_798, %get3A_801 : vector<128x256xbf16>
    %dot_general3A_803 = arith.constant dense<0.000000e+00> : vector<128x64xf32>
    %dot_general3A_804 = tpu.matmul %mul3A_802, %slice3A_795, %dot_general3A_803 {dimension_numbers = #tpu.dot_dimension_numbers<[1], [0], [0], [1], [0, 0, 1, 1], [], []>, transpose_lhs_hint = false} : vector<128x256xbf16>, vector<256x64xbf16>, vector<128x64xf32> -> vector<128x64xf32>
    %swap3A_805 = arith.constant 0 : index
    %swap3A_806 = arith.constant 5248 : index
    %swap3A_807 = arith.constant 0 : index
    %swap3A_808 = vector.load %arg5[%swap3A_805, %swap3A_806, %swap3A_807] : memref<1x8192x64xf32, #tpu.memory_space<vmem>>, vector<1x128x64xf32>
    %swap3A_809 = vector.shape_cast %swap3A_808 : vector<1x128x64xf32> to vector<128x64xf32>
    %swap3A_810 = vector.shape_cast %dot_general3A_804 : vector<128x64xf32> to vector<1x128x64xf32>
    tpu.vector_store %arg5[%swap3A_805, %swap3A_806, %swap3A_807], %swap3A_810 {strides = array<i32>} : memref<1x8192x64xf32, #tpu.memory_space<vmem>>, vector<1x128x64xf32>,
    %slice3A_811 = vector.extract_strided_slice %convert_element_type3A_51 {offsets = [5376, 0], sizes = [128, 64], strides = [1, 1]} : vector<8192x64xbf16> to vector<128x64xbf16>
    %slice3A_812 = vector.extract_strided_slice %convert_element_type3A_51 {offsets = [5248, 0], sizes = [256, 64], strides = [1, 1]} : vector<8192x64xbf16> to vector<256x64xbf16>
    %slice3A_813 = vector.extract_strided_slice %convert_element_type3A_57 {offsets = [5248, 0], sizes = [256, 64], strides = [1, 1]} : vector<8192x64xbf16> to vector<256x64xbf16>
    %dot_general3A_814 = arith.constant dense<0.000000e+00> : vector<128x256xf32>
    %dot_general3A_815 = tpu.matmul %slice3A_811, %slice3A_812, %dot_general3A_814 {dimension_numbers = #tpu.dot_dimension_numbers<[1], [1], [0], [0], [0, 0, 1, 0], [], []>, transpose_lhs_hint = false} : vector<128x64xbf16>, vector<256x64xbf16>, vector<128x256xf32> -> vector<128x256xf32>
    %convert_element_type3A_816 = arith.truncf %dot_general3A_815 : vector<128x256xf32> to vector<128x256xbf16>
    %get3A_817 = arith.constant 0 : index
    %get3A_818 = arith.constant 0 : index
    %get3A_819 = vector.load %arg6[%get3A_817, %get3A_818] : memref<128x256xbf16, #tpu.memory_space<vmem>>, vector<128x256xbf16>
    %mul3A_820 = arith.mulf %convert_element_type3A_816, %get3A_819 : vector<128x256xbf16>
    %dot_general3A_821 = arith.constant dense<0.000000e+00> : vector<128x64xf32>
    %dot_general3A_822 = tpu.matmul %mul3A_820, %slice3A_813, %dot_general3A_821 {dimension_numbers = #tpu.dot_dimension_numbers<[1], [0], [0], [1], [0, 0, 1, 1], [], []>, transpose_lhs_hint = false} : vector<128x256xbf16>, vector<256x64xbf16>, vector<128x64xf32> -> vector<128x64xf32>
    %swap3A_823 = arith.constant 0 : index
    %swap3A_824 = arith.constant 5376 : index
    %swap3A_825 = arith.constant 0 : index
    %swap3A_826 = vector.load %arg5[%swap3A_823, %swap3A_824, %swap3A_825] : memref<1x8192x64xf32, #tpu.memory_space<vmem>>, vector<1x128x64xf32>
    %swap3A_827 = vector.shape_cast %swap3A_826 : vector<1x128x64xf32> to vector<128x64xf32>
    %swap3A_828 = vector.shape_cast %dot_general3A_822 : vector<128x64xf32> to vector<1x128x64xf32>
    tpu.vector_store %arg5[%swap3A_823, %swap3A_824, %swap3A_825], %swap3A_828 {strides = array<i32>} : memref<1x8192x64xf32, #tpu.memory_space<vmem>>, vector<1x128x64xf32>,
    %slice3A_829 = vector.extract_strided_slice %convert_element_type3A_51 {offsets = [5504, 0], sizes = [128, 64], strides = [1, 1]} : vector<8192x64xbf16> to vector<128x64xbf16>
    %slice3A_830 = vector.extract_strided_slice %convert_element_type3A_51 {offsets = [5376, 0], sizes = [256, 64], strides = [1, 1]} : vector<8192x64xbf16> to vector<256x64xbf16>
    %slice3A_831 = vector.extract_strided_slice %convert_element_type3A_57 {offsets = [5376, 0], sizes = [256, 64], strides = [1, 1]} : vector<8192x64xbf16> to vector<256x64xbf16>
    %dot_general3A_832 = arith.constant dense<0.000000e+00> : vector<128x256xf32>
    %dot_general3A_833 = tpu.matmul %slice3A_829, %slice3A_830, %dot_general3A_832 {dimension_numbers = #tpu.dot_dimension_numbers<[1], [1], [0], [0], [0, 0, 1, 0], [], []>, transpose_lhs_hint = false} : vector<128x64xbf16>, vector<256x64xbf16>, vector<128x256xf32> -> vector<128x256xf32>
    %convert_element_type3A_834 = arith.truncf %dot_general3A_833 : vector<128x256xf32> to vector<128x256xbf16>
    %get3A_835 = arith.constant 0 : index
    %get3A_836 = arith.constant 0 : index
    %get3A_837 = vector.load %arg6[%get3A_835, %get3A_836] : memref<128x256xbf16, #tpu.memory_space<vmem>>, vector<128x256xbf16>
    %mul3A_838 = arith.mulf %convert_element_type3A_834, %get3A_837 : vector<128x256xbf16>
    %dot_general3A_839 = arith.constant dense<0.000000e+00> : vector<128x64xf32>
    %dot_general3A_840 = tpu.matmul %mul3A_838, %slice3A_831, %dot_general3A_839 {dimension_numbers = #tpu.dot_dimension_numbers<[1], [0], [0], [1], [0, 0, 1, 1], [], []>, transpose_lhs_hint = false} : vector<128x256xbf16>, vector<256x64xbf16>, vector<128x64xf32> -> vector<128x64xf32>
    %swap3A_841 = arith.constant 0 : index
    %swap3A_842 = arith.constant 5504 : index
    %swap3A_843 = arith.constant 0 : index
    %swap3A_844 = vector.load %arg5[%swap3A_841, %swap3A_842, %swap3A_843] : memref<1x8192x64xf32, #tpu.memory_space<vmem>>, vector<1x128x64xf32>
    %swap3A_845 = vector.shape_cast %swap3A_844 : vector<1x128x64xf32> to vector<128x64xf32>
    %swap3A_846 = vector.shape_cast %dot_general3A_840 : vector<128x64xf32> to vector<1x128x64xf32>
    tpu.vector_store %arg5[%swap3A_841, %swap3A_842, %swap3A_843], %swap3A_846 {strides = array<i32>} : memref<1x8192x64xf32, #tpu.memory_space<vmem>>, vector<1x128x64xf32>,
    %slice3A_847 = vector.extract_strided_slice %convert_element_type3A_51 {offsets = [5632, 0], sizes = [128, 64], strides = [1, 1]} : vector<8192x64xbf16> to vector<128x64xbf16>
    %slice3A_848 = vector.extract_strided_slice %convert_element_type3A_51 {offsets = [5504, 0], sizes = [256, 64], strides = [1, 1]} : vector<8192x64xbf16> to vector<256x64xbf16>
    %slice3A_849 = vector.extract_strided_slice %convert_element_type3A_57 {offsets = [5504, 0], sizes = [256, 64], strides = [1, 1]} : vector<8192x64xbf16> to vector<256x64xbf16>
    %dot_general3A_850 = arith.constant dense<0.000000e+00> : vector<128x256xf32>
    %dot_general3A_851 = tpu.matmul %slice3A_847, %slice3A_848, %dot_general3A_850 {dimension_numbers = #tpu.dot_dimension_numbers<[1], [1], [0], [0], [0, 0, 1, 0], [], []>, transpose_lhs_hint = false} : vector<128x64xbf16>, vector<256x64xbf16>, vector<128x256xf32> -> vector<128x256xf32>
    %convert_element_type3A_852 = arith.truncf %dot_general3A_851 : vector<128x256xf32> to vector<128x256xbf16>
    %get3A_853 = arith.constant 0 : index
    %get3A_854 = arith.constant 0 : index
    %get3A_855 = vector.load %arg6[%get3A_853, %get3A_854] : memref<128x256xbf16, #tpu.memory_space<vmem>>, vector<128x256xbf16>
    %mul3A_856 = arith.mulf %convert_element_type3A_852, %get3A_855 : vector<128x256xbf16>
    %dot_general3A_857 = arith.constant dense<0.000000e+00> : vector<128x64xf32>
    %dot_general3A_858 = tpu.matmul %mul3A_856, %slice3A_849, %dot_general3A_857 {dimension_numbers = #tpu.dot_dimension_numbers<[1], [0], [0], [1], [0, 0, 1, 1], [], []>, transpose_lhs_hint = false} : vector<128x256xbf16>, vector<256x64xbf16>, vector<128x64xf32> -> vector<128x64xf32>
    %swap3A_859 = arith.constant 0 : index
    %swap3A_860 = arith.constant 5632 : index
    %swap3A_861 = arith.constant 0 : index
    %swap3A_862 = vector.load %arg5[%swap3A_859, %swap3A_860, %swap3A_861] : memref<1x8192x64xf32, #tpu.memory_space<vmem>>, vector<1x128x64xf32>
    %swap3A_863 = vector.shape_cast %swap3A_862 : vector<1x128x64xf32> to vector<128x64xf32>
    %swap3A_864 = vector.shape_cast %dot_general3A_858 : vector<128x64xf32> to vector<1x128x64xf32>
    tpu.vector_store %arg5[%swap3A_859, %swap3A_860, %swap3A_861], %swap3A_864 {strides = array<i32>} : memref<1x8192x64xf32, #tpu.memory_space<vmem>>, vector<1x128x64xf32>,
    %slice3A_865 = vector.extract_strided_slice %convert_element_type3A_51 {offsets = [5760, 0], sizes = [128, 64], strides = [1, 1]} : vector<8192x64xbf16> to vector<128x64xbf16>
    %slice3A_866 = vector.extract_strided_slice %convert_element_type3A_51 {offsets = [5632, 0], sizes = [256, 64], strides = [1, 1]} : vector<8192x64xbf16> to vector<256x64xbf16>
    %slice3A_867 = vector.extract_strided_slice %convert_element_type3A_57 {offsets = [5632, 0], sizes = [256, 64], strides = [1, 1]} : vector<8192x64xbf16> to vector<256x64xbf16>
    %dot_general3A_868 = arith.constant dense<0.000000e+00> : vector<128x256xf32>
    %dot_general3A_869 = tpu.matmul %slice3A_865, %slice3A_866, %dot_general3A_868 {dimension_numbers = #tpu.dot_dimension_numbers<[1], [1], [0], [0], [0, 0, 1, 0], [], []>, transpose_lhs_hint = false} : vector<128x64xbf16>, vector<256x64xbf16>, vector<128x256xf32> -> vector<128x256xf32>
    %convert_element_type3A_870 = arith.truncf %dot_general3A_869 : vector<128x256xf32> to vector<128x256xbf16>
    %get3A_871 = arith.constant 0 : index
    %get3A_872 = arith.constant 0 : index
    %get3A_873 = vector.load %arg6[%get3A_871, %get3A_872] : memref<128x256xbf16, #tpu.memory_space<vmem>>, vector<128x256xbf16>
    %mul3A_874 = arith.mulf %convert_element_type3A_870, %get3A_873 : vector<128x256xbf16>
    %dot_general3A_875 = arith.constant dense<0.000000e+00> : vector<128x64xf32>
    %dot_general3A_876 = tpu.matmul %mul3A_874, %slice3A_867, %dot_general3A_875 {dimension_numbers = #tpu.dot_dimension_numbers<[1], [0], [0], [1], [0, 0, 1, 1], [], []>, transpose_lhs_hint = false} : vector<128x256xbf16>, vector<256x64xbf16>, vector<128x64xf32> -> vector<128x64xf32>
    %swap3A_877 = arith.constant 0 : index
    %swap3A_878 = arith.constant 5760 : index
    %swap3A_879 = arith.constant 0 : index
    %swap3A_880 = vector.load %arg5[%swap3A_877, %swap3A_878, %swap3A_879] : memref<1x8192x64xf32, #tpu.memory_space<vmem>>, vector<1x128x64xf32>
    %swap3A_881 = vector.shape_cast %swap3A_880 : vector<1x128x64xf32> to vector<128x64xf32>
    %swap3A_882 = vector.shape_cast %dot_general3A_876 : vector<128x64xf32> to vector<1x128x64xf32>
    tpu.vector_store %arg5[%swap3A_877, %swap3A_878, %swap3A_879], %swap3A_882 {strides = array<i32>} : memref<1x8192x64xf32, #tpu.memory_space<vmem>>, vector<1x128x64xf32>,
    %slice3A_883 = vector.extract_strided_slice %convert_element_type3A_51 {offsets = [5888, 0], sizes = [128, 64], strides = [1, 1]} : vector<8192x64xbf16> to vector<128x64xbf16>
    %slice3A_884 = vector.extract_strided_slice %convert_element_type3A_51 {offsets = [5760, 0], sizes = [256, 64], strides = [1, 1]} : vector<8192x64xbf16> to vector<256x64xbf16>
    %slice3A_885 = vector.extract_strided_slice %convert_element_type3A_57 {offsets = [5760, 0], sizes = [256, 64], strides = [1, 1]} : vector<8192x64xbf16> to vector<256x64xbf16>
    %dot_general3A_886 = arith.constant dense<0.000000e+00> : vector<128x256xf32>
    %dot_general3A_887 = tpu.matmul %slice3A_883, %slice3A_884, %dot_general3A_886 {dimension_numbers = #tpu.dot_dimension_numbers<[1], [1], [0], [0], [0, 0, 1, 0], [], []>, transpose_lhs_hint = false} : vector<128x64xbf16>, vector<256x64xbf16>, vector<128x256xf32> -> vector<128x256xf32>
    %convert_element_type3A_888 = arith.truncf %dot_general3A_887 : vector<128x256xf32> to vector<128x256xbf16>
    %get3A_889 = arith.constant 0 : index
    %get3A_890 = arith.constant 0 : index
    %get3A_891 = vector.load %arg6[%get3A_889, %get3A_890] : memref<128x256xbf16, #tpu.memory_space<vmem>>, vector<128x256xbf16>
    %mul3A_892 = arith.mulf %convert_element_type3A_888, %get3A_891 : vector<128x256xbf16>
    %dot_general3A_893 = arith.constant dense<0.000000e+00> : vector<128x64xf32>
    %dot_general3A_894 = tpu.matmul %mul3A_892, %slice3A_885, %dot_general3A_893 {dimension_numbers = #tpu.dot_dimension_numbers<[1], [0], [0], [1], [0, 0, 1, 1], [], []>, transpose_lhs_hint = false} : vector<128x256xbf16>, vector<256x64xbf16>, vector<128x64xf32> -> vector<128x64xf32>
    %swap3A_895 = arith.constant 0 : index
    %swap3A_896 = arith.constant 5888 : index
    %swap3A_897 = arith.constant 0 : index
    %swap3A_898 = vector.load %arg5[%swap3A_895, %swap3A_896, %swap3A_897] : memref<1x8192x64xf32, #tpu.memory_space<vmem>>, vector<1x128x64xf32>
    %swap3A_899 = vector.shape_cast %swap3A_898 : vector<1x128x64xf32> to vector<128x64xf32>
    %swap3A_900 = vector.shape_cast %dot_general3A_894 : vector<128x64xf32> to vector<1x128x64xf32>
    tpu.vector_store %arg5[%swap3A_895, %swap3A_896, %swap3A_897], %swap3A_900 {strides = array<i32>} : memref<1x8192x64xf32, #tpu.memory_space<vmem>>, vector<1x128x64xf32>,
    %slice3A_901 = vector.extract_strided_slice %convert_element_type3A_51 {offsets = [6016, 0], sizes = [128, 64], strides = [1, 1]} : vector<8192x64xbf16> to vector<128x64xbf16>
    %slice3A_902 = vector.extract_strided_slice %convert_element_type3A_51 {offsets = [5888, 0], sizes = [256, 64], strides = [1, 1]} : vector<8192x64xbf16> to vector<256x64xbf16>
    %slice3A_903 = vector.extract_strided_slice %convert_element_type3A_57 {offsets = [5888, 0], sizes = [256, 64], strides = [1, 1]} : vector<8192x64xbf16> to vector<256x64xbf16>
    %dot_general3A_904 = arith.constant dense<0.000000e+00> : vector<128x256xf32>
    %dot_general3A_905 = tpu.matmul %slice3A_901, %slice3A_902, %dot_general3A_904 {dimension_numbers = #tpu.dot_dimension_numbers<[1], [1], [0], [0], [0, 0, 1, 0], [], []>, transpose_lhs_hint = false} : vector<128x64xbf16>, vector<256x64xbf16>, vector<128x256xf32> -> vector<128x256xf32>
    %convert_element_type3A_906 = arith.truncf %dot_general3A_905 : vector<128x256xf32> to vector<128x256xbf16>
    %get3A_907 = arith.constant 0 : index
    %get3A_908 = arith.constant 0 : index
    %get3A_909 = vector.load %arg6[%get3A_907, %get3A_908] : memref<128x256xbf16, #tpu.memory_space<vmem>>, vector<128x256xbf16>
    %mul3A_910 = arith.mulf %convert_element_type3A_906, %get3A_909 : vector<128x256xbf16>
    %dot_general3A_911 = arith.constant dense<0.000000e+00> : vector<128x64xf32>
    %dot_general3A_912 = tpu.matmul %mul3A_910, %slice3A_903, %dot_general3A_911 {dimension_numbers = #tpu.dot_dimension_numbers<[1], [0], [0], [1], [0, 0, 1, 1], [], []>, transpose_lhs_hint = false} : vector<128x256xbf16>, vector<256x64xbf16>, vector<128x64xf32> -> vector<128x64xf32>
    %swap3A_913 = arith.constant 0 : index
    %swap3A_914 = arith.constant 6016 : index
    %swap3A_915 = arith.constant 0 : index
    %swap3A_916 = vector.load %arg5[%swap3A_913, %swap3A_914, %swap3A_915] : memref<1x8192x64xf32, #tpu.memory_space<vmem>>, vector<1x128x64xf32>
    %swap3A_917 = vector.shape_cast %swap3A_916 : vector<1x128x64xf32> to vector<128x64xf32>
    %swap3A_918 = vector.shape_cast %dot_general3A_912 : vector<128x64xf32> to vector<1x128x64xf32>
    tpu.vector_store %arg5[%swap3A_913, %swap3A_914, %swap3A_915], %swap3A_918 {strides = array<i32>} : memref<1x8192x64xf32, #tpu.memory_space<vmem>>, vector<1x128x64xf32>,
    %slice3A_919 = vector.extract_strided_slice %convert_element_type3A_51 {offsets = [6144, 0], sizes = [128, 64], strides = [1, 1]} : vector<8192x64xbf16> to vector<128x64xbf16>
    %slice3A_920 = vector.extract_strided_slice %convert_element_type3A_51 {offsets = [6016, 0], sizes = [256, 64], strides = [1, 1]} : vector<8192x64xbf16> to vector<256x64xbf16>
    %slice3A_921 = vector.extract_strided_slice %convert_element_type3A_57 {offsets = [6016, 0], sizes = [256, 64], strides = [1, 1]} : vector<8192x64xbf16> to vector<256x64xbf16>
    %dot_general3A_922 = arith.constant dense<0.000000e+00> : vector<128x256xf32>
    %dot_general3A_923 = tpu.matmul %slice3A_919, %slice3A_920, %dot_general3A_922 {dimension_numbers = #tpu.dot_dimension_numbers<[1], [1], [0], [0], [0, 0, 1, 0], [], []>, transpose_lhs_hint = false} : vector<128x64xbf16>, vector<256x64xbf16>, vector<128x256xf32> -> vector<128x256xf32>
    %convert_element_type3A_924 = arith.truncf %dot_general3A_923 : vector<128x256xf32> to vector<128x256xbf16>
    %get3A_925 = arith.constant 0 : index
    %get3A_926 = arith.constant 0 : index
    %get3A_927 = vector.load %arg6[%get3A_925, %get3A_926] : memref<128x256xbf16, #tpu.memory_space<vmem>>, vector<128x256xbf16>
    %mul3A_928 = arith.mulf %convert_element_type3A_924, %get3A_927 : vector<128x256xbf16>
    %dot_general3A_929 = arith.constant dense<0.000000e+00> : vector<128x64xf32>
    %dot_general3A_930 = tpu.matmul %mul3A_928, %slice3A_921, %dot_general3A_929 {dimension_numbers = #tpu.dot_dimension_numbers<[1], [0], [0], [1], [0, 0, 1, 1], [], []>, transpose_lhs_hint = false} : vector<128x256xbf16>, vector<256x64xbf16>, vector<128x64xf32> -> vector<128x64xf32>
    %swap3A_931 = arith.constant 0 : index
    %swap3A_932 = arith.constant 6144 : index
    %swap3A_933 = arith.constant 0 : index
    %swap3A_934 = vector.load %arg5[%swap3A_931, %swap3A_932, %swap3A_933] : memref<1x8192x64xf32, #tpu.memory_space<vmem>>, vector<1x128x64xf32>
    %swap3A_935 = vector.shape_cast %swap3A_934 : vector<1x128x64xf32> to vector<128x64xf32>
    %swap3A_936 = vector.shape_cast %dot_general3A_930 : vector<128x64xf32> to vector<1x128x64xf32>
    tpu.vector_store %arg5[%swap3A_931, %swap3A_932, %swap3A_933], %swap3A_936 {strides = array<i32>} : memref<1x8192x64xf32, #tpu.memory_space<vmem>>, vector<1x128x64xf32>,
    %slice3A_937 = vector.extract_strided_slice %convert_element_type3A_51 {offsets = [6272, 0], sizes = [128, 64], strides = [1, 1]} : vector<8192x64xbf16> to vector<128x64xbf16>
    %slice3A_938 = vector.extract_strided_slice %convert_element_type3A_51 {offsets = [6144, 0], sizes = [256, 64], strides = [1, 1]} : vector<8192x64xbf16> to vector<256x64xbf16>
    %slice3A_939 = vector.extract_strided_slice %convert_element_type3A_57 {offsets = [6144, 0], sizes = [256, 64], strides = [1, 1]} : vector<8192x64xbf16> to vector<256x64xbf16>
    %dot_general3A_940 = arith.constant dense<0.000000e+00> : vector<128x256xf32>
    %dot_general3A_941 = tpu.matmul %slice3A_937, %slice3A_938, %dot_general3A_940 {dimension_numbers = #tpu.dot_dimension_numbers<[1], [1], [0], [0], [0, 0, 1, 0], [], []>, transpose_lhs_hint = false} : vector<128x64xbf16>, vector<256x64xbf16>, vector<128x256xf32> -> vector<128x256xf32>
    %convert_element_type3A_942 = arith.truncf %dot_general3A_941 : vector<128x256xf32> to vector<128x256xbf16>
    %get3A_943 = arith.constant 0 : index
    %get3A_944 = arith.constant 0 : index
    %get3A_945 = vector.load %arg6[%get3A_943, %get3A_944] : memref<128x256xbf16, #tpu.memory_space<vmem>>, vector<128x256xbf16>
    %mul3A_946 = arith.mulf %convert_element_type3A_942, %get3A_945 : vector<128x256xbf16>
    %dot_general3A_947 = arith.constant dense<0.000000e+00> : vector<128x64xf32>
    %dot_general3A_948 = tpu.matmul %mul3A_946, %slice3A_939, %dot_general3A_947 {dimension_numbers = #tpu.dot_dimension_numbers<[1], [0], [0], [1], [0, 0, 1, 1], [], []>, transpose_lhs_hint = false} : vector<128x256xbf16>, vector<256x64xbf16>, vector<128x64xf32> -> vector<128x64xf32>
    %swap3A_949 = arith.constant 0 : index
    %swap3A_950 = arith.constant 6272 : index
    %swap3A_951 = arith.constant 0 : index
    %swap3A_952 = vector.load %arg5[%swap3A_949, %swap3A_950, %swap3A_951] : memref<1x8192x64xf32, #tpu.memory_space<vmem>>, vector<1x128x64xf32>
    %swap3A_953 = vector.shape_cast %swap3A_952 : vector<1x128x64xf32> to vector<128x64xf32>
    %swap3A_954 = vector.shape_cast %dot_general3A_948 : vector<128x64xf32> to vector<1x128x64xf32>
    tpu.vector_store %arg5[%swap3A_949, %swap3A_950, %swap3A_951], %swap3A_954 {strides = array<i32>} : memref<1x8192x64xf32, #tpu.memory_space<vmem>>, vector<1x128x64xf32>,
    %slice3A_955 = vector.extract_strided_slice %convert_element_type3A_51 {offsets = [6400, 0], sizes = [128, 64], strides = [1, 1]} : vector<8192x64xbf16> to vector<128x64xbf16>
    %slice3A_956 = vector.extract_strided_slice %convert_element_type3A_51 {offsets = [6272, 0], sizes = [256, 64], strides = [1, 1]} : vector<8192x64xbf16> to vector<256x64xbf16>
    %slice3A_957 = vector.extract_strided_slice %convert_element_type3A_57 {offsets = [6272, 0], sizes = [256, 64], strides = [1, 1]} : vector<8192x64xbf16> to vector<256x64xbf16>
    %dot_general3A_958 = arith.constant dense<0.000000e+00> : vector<128x256xf32>
    %dot_general3A_959 = tpu.matmul %slice3A_955, %slice3A_956, %dot_general3A_958 {dimension_numbers = #tpu.dot_dimension_numbers<[1], [1], [0], [0], [0, 0, 1, 0], [], []>, transpose_lhs_hint = false} : vector<128x64xbf16>, vector<256x64xbf16>, vector<128x256xf32> -> vector<128x256xf32>
    %convert_element_type3A_960 = arith.truncf %dot_general3A_959 : vector<128x256xf32> to vector<128x256xbf16>
    %get3A_961 = arith.constant 0 : index
    %get3A_962 = arith.constant 0 : index
    %get3A_963 = vector.load %arg6[%get3A_961, %get3A_962] : memref<128x256xbf16, #tpu.memory_space<vmem>>, vector<128x256xbf16>
    %mul3A_964 = arith.mulf %convert_element_type3A_960, %get3A_963 : vector<128x256xbf16>
    %dot_general3A_965 = arith.constant dense<0.000000e+00> : vector<128x64xf32>
    %dot_general3A_966 = tpu.matmul %mul3A_964, %slice3A_957, %dot_general3A_965 {dimension_numbers = #tpu.dot_dimension_numbers<[1], [0], [0], [1], [0, 0, 1, 1], [], []>, transpose_lhs_hint = false} : vector<128x256xbf16>, vector<256x64xbf16>, vector<128x64xf32> -> vector<128x64xf32>
    %swap3A_967 = arith.constant 0 : index
    %swap3A_968 = arith.constant 6400 : index
    %swap3A_969 = arith.constant 0 : index
    %swap3A_970 = vector.load %arg5[%swap3A_967, %swap3A_968, %swap3A_969] : memref<1x8192x64xf32, #tpu.memory_space<vmem>>, vector<1x128x64xf32>
    %swap3A_971 = vector.shape_cast %swap3A_970 : vector<1x128x64xf32> to vector<128x64xf32>
    %swap3A_972 = vector.shape_cast %dot_general3A_966 : vector<128x64xf32> to vector<1x128x64xf32>
    tpu.vector_store %arg5[%swap3A_967, %swap3A_968, %swap3A_969], %swap3A_972 {strides = array<i32>} : memref<1x8192x64xf32, #tpu.memory_space<vmem>>, vector<1x128x64xf32>,
    %slice3A_973 = vector.extract_strided_slice %convert_element_type3A_51 {offsets = [6528, 0], sizes = [128, 64], strides = [1, 1]} : vector<8192x64xbf16> to vector<128x64xbf16>
    %slice3A_974 = vector.extract_strided_slice %convert_element_type3A_51 {offsets = [6400, 0], sizes = [256, 64], strides = [1, 1]} : vector<8192x64xbf16> to vector<256x64xbf16>
    %slice3A_975 = vector.extract_strided_slice %convert_element_type3A_57 {offsets = [6400, 0], sizes = [256, 64], strides = [1, 1]} : vector<8192x64xbf16> to vector<256x64xbf16>
    %dot_general3A_976 = arith.constant dense<0.000000e+00> : vector<128x256xf32>
    %dot_general3A_977 = tpu.matmul %slice3A_973, %slice3A_974, %dot_general3A_976 {dimension_numbers = #tpu.dot_dimension_numbers<[1], [1], [0], [0], [0, 0, 1, 0], [], []>, transpose_lhs_hint = false} : vector<128x64xbf16>, vector<256x64xbf16>, vector<128x256xf32> -> vector<128x256xf32>
    %convert_element_type3A_978 = arith.truncf %dot_general3A_977 : vector<128x256xf32> to vector<128x256xbf16>
    %get3A_979 = arith.constant 0 : index
    %get3A_980 = arith.constant 0 : index
    %get3A_981 = vector.load %arg6[%get3A_979, %get3A_980] : memref<128x256xbf16, #tpu.memory_space<vmem>>, vector<128x256xbf16>
    %mul3A_982 = arith.mulf %convert_element_type3A_978, %get3A_981 : vector<128x256xbf16>
    %dot_general3A_983 = arith.constant dense<0.000000e+00> : vector<128x64xf32>
    %dot_general3A_984 = tpu.matmul %mul3A_982, %slice3A_975, %dot_general3A_983 {dimension_numbers = #tpu.dot_dimension_numbers<[1], [0], [0], [1], [0, 0, 1, 1], [], []>, transpose_lhs_hint = false} : vector<128x256xbf16>, vector<256x64xbf16>, vector<128x64xf32> -> vector<128x64xf32>
    %swap3A_985 = arith.constant 0 : index
    %swap3A_986 = arith.constant 6528 : index
    %swap3A_987 = arith.constant 0 : index
    %swap3A_988 = vector.load %arg5[%swap3A_985, %swap3A_986, %swap3A_987] : memref<1x8192x64xf32, #tpu.memory_space<vmem>>, vector<1x128x64xf32>
    %swap3A_989 = vector.shape_cast %swap3A_988 : vector<1x128x64xf32> to vector<128x64xf32>
    %swap3A_990 = vector.shape_cast %dot_general3A_984 : vector<128x64xf32> to vector<1x128x64xf32>
    tpu.vector_store %arg5[%swap3A_985, %swap3A_986, %swap3A_987], %swap3A_990 {strides = array<i32>} : memref<1x8192x64xf32, #tpu.memory_space<vmem>>, vector<1x128x64xf32>,
    %slice3A_991 = vector.extract_strided_slice %convert_element_type3A_51 {offsets = [6656, 0], sizes = [128, 64], strides = [1, 1]} : vector<8192x64xbf16> to vector<128x64xbf16>
    %slice3A_992 = vector.extract_strided_slice %convert_element_type3A_51 {offsets = [6528, 0], sizes = [256, 64], strides = [1, 1]} : vector<8192x64xbf16> to vector<256x64xbf16>
    %slice3A_993 = vector.extract_strided_slice %convert_element_type3A_57 {offsets = [6528, 0], sizes = [256, 64], strides = [1, 1]} : vector<8192x64xbf16> to vector<256x64xbf16>
    %dot_general3A_994 = arith.constant dense<0.000000e+00> : vector<128x256xf32>
    %dot_general3A_995 = tpu.matmul %slice3A_991, %slice3A_992, %dot_general3A_994 {dimension_numbers = #tpu.dot_dimension_numbers<[1], [1], [0], [0], [0, 0, 1, 0], [], []>, transpose_lhs_hint = false} : vector<128x64xbf16>, vector<256x64xbf16>, vector<128x256xf32> -> vector<128x256xf32>
    %convert_element_type3A_996 = arith.truncf %dot_general3A_995 : vector<128x256xf32> to vector<128x256xbf16>
    %get3A_997 = arith.constant 0 : index
    %get3A_998 = arith.constant 0 : index
    %get3A_999 = vector.load %arg6[%get3A_997, %get3A_998] : memref<128x256xbf16, #tpu.memory_space<vmem>>, vector<128x256xbf16>
    %mul3A_1000 = arith.mulf %convert_element_type3A_996, %get3A_999 : vector<128x256xbf16>
    %dot_general3A_1001 = arith.constant dense<0.000000e+00> : vector<128x64xf32>
    %dot_general3A_1002 = tpu.matmul %mul3A_1000, %slice3A_993, %dot_general3A_1001 {dimension_numbers = #tpu.dot_dimension_numbers<[1], [0], [0], [1], [0, 0, 1, 1], [], []>, transpose_lhs_hint = false} : vector<128x256xbf16>, vector<256x64xbf16>, vector<128x64xf32> -> vector<128x64xf32>
    %swap3A_1003 = arith.constant 0 : index
    %swap3A_1004 = arith.constant 6656 : index
    %swap3A_1005 = arith.constant 0 : index
    %swap3A_1006 = vector.load %arg5[%swap3A_1003, %swap3A_1004, %swap3A_1005] : memref<1x8192x64xf32, #tpu.memory_space<vmem>>, vector<1x128x64xf32>
    %swap3A_1007 = vector.shape_cast %swap3A_1006 : vector<1x128x64xf32> to vector<128x64xf32>
    %swap3A_1008 = vector.shape_cast %dot_general3A_1002 : vector<128x64xf32> to vector<1x128x64xf32>
    tpu.vector_store %arg5[%swap3A_1003, %swap3A_1004, %swap3A_1005], %swap3A_1008 {strides = array<i32>} : memref<1x8192x64xf32, #tpu.memory_space<vmem>>, vector<1x128x64xf32>,
    %slice3A_1009 = vector.extract_strided_slice %convert_element_type3A_51 {offsets = [6784, 0], sizes = [128, 64], strides = [1, 1]} : vector<8192x64xbf16> to vector<128x64xbf16>
    %slice3A_1010 = vector.extract_strided_slice %convert_element_type3A_51 {offsets = [6656, 0], sizes = [256, 64], strides = [1, 1]} : vector<8192x64xbf16> to vector<256x64xbf16>
    %slice3A_1011 = vector.extract_strided_slice %convert_element_type3A_57 {offsets = [6656, 0], sizes = [256, 64], strides = [1, 1]} : vector<8192x64xbf16> to vector<256x64xbf16>
    %dot_general3A_1012 = arith.constant dense<0.000000e+00> : vector<128x256xf32>
    %dot_general3A_1013 = tpu.matmul %slice3A_1009, %slice3A_1010, %dot_general3A_1012 {dimension_numbers = #tpu.dot_dimension_numbers<[1], [1], [0], [0], [0, 0, 1, 0], [], []>, transpose_lhs_hint = false} : vector<128x64xbf16>, vector<256x64xbf16>, vector<128x256xf32> -> vector<128x256xf32>
    %convert_element_type3A_1014 = arith.truncf %dot_general3A_1013 : vector<128x256xf32> to vector<128x256xbf16>
    %get3A_1015 = arith.constant 0 : index
    %get3A_1016 = arith.constant 0 : index
    %get3A_1017 = vector.load %arg6[%get3A_1015, %get3A_1016] : memref<128x256xbf16, #tpu.memory_space<vmem>>, vector<128x256xbf16>
    %mul3A_1018 = arith.mulf %convert_element_type3A_1014, %get3A_1017 : vector<128x256xbf16>
    %dot_general3A_1019 = arith.constant dense<0.000000e+00> : vector<128x64xf32>
    %dot_general3A_1020 = tpu.matmul %mul3A_1018, %slice3A_1011, %dot_general3A_1019 {dimension_numbers = #tpu.dot_dimension_numbers<[1], [0], [0], [1], [0, 0, 1, 1], [], []>, transpose_lhs_hint = false} : vector<128x256xbf16>, vector<256x64xbf16>, vector<128x64xf32> -> vector<128x64xf32>
    %swap3A_1021 = arith.constant 0 : index
    %swap3A_1022 = arith.constant 6784 : index
    %swap3A_1023 = arith.constant 0 : index
    %swap3A_1024 = vector.load %arg5[%swap3A_1021, %swap3A_1022, %swap3A_1023] : memref<1x8192x64xf32, #tpu.memory_space<vmem>>, vector<1x128x64xf32>
    %swap3A_1025 = vector.shape_cast %swap3A_1024 : vector<1x128x64xf32> to vector<128x64xf32>
    %swap3A_1026 = vector.shape_cast %dot_general3A_1020 : vector<128x64xf32> to vector<1x128x64xf32>
    tpu.vector_store %arg5[%swap3A_1021, %swap3A_1022, %swap3A_1023], %swap3A_1026 {strides = array<i32>} : memref<1x8192x64xf32, #tpu.memory_space<vmem>>, vector<1x128x64xf32>,
    %slice3A_1027 = vector.extract_strided_slice %convert_element_type3A_51 {offsets = [6912, 0], sizes = [128, 64], strides = [1, 1]} : vector<8192x64xbf16> to vector<128x64xbf16>
    %slice3A_1028 = vector.extract_strided_slice %convert_element_type3A_51 {offsets = [6784, 0], sizes = [256, 64], strides = [1, 1]} : vector<8192x64xbf16> to vector<256x64xbf16>
    %slice3A_1029 = vector.extract_strided_slice %convert_element_type3A_57 {offsets = [6784, 0], sizes = [256, 64], strides = [1, 1]} : vector<8192x64xbf16> to vector<256x64xbf16>
    %dot_general3A_1030 = arith.constant dense<0.000000e+00> : vector<128x256xf32>
    %dot_general3A_1031 = tpu.matmul %slice3A_1027, %slice3A_1028, %dot_general3A_1030 {dimension_numbers = #tpu.dot_dimension_numbers<[1], [1], [0], [0], [0, 0, 1, 0], [], []>, transpose_lhs_hint = false} : vector<128x64xbf16>, vector<256x64xbf16>, vector<128x256xf32> -> vector<128x256xf32>
    %convert_element_type3A_1032 = arith.truncf %dot_general3A_1031 : vector<128x256xf32> to vector<128x256xbf16>
    %get3A_1033 = arith.constant 0 : index
    %get3A_1034 = arith.constant 0 : index
    %get3A_1035 = vector.load %arg6[%get3A_1033, %get3A_1034] : memref<128x256xbf16, #tpu.memory_space<vmem>>, vector<128x256xbf16>
    %mul3A_1036 = arith.mulf %convert_element_type3A_1032, %get3A_1035 : vector<128x256xbf16>
    %dot_general3A_1037 = arith.constant dense<0.000000e+00> : vector<128x64xf32>
    %dot_general3A_1038 = tpu.matmul %mul3A_1036, %slice3A_1029, %dot_general3A_1037 {dimension_numbers = #tpu.dot_dimension_numbers<[1], [0], [0], [1], [0, 0, 1, 1], [], []>, transpose_lhs_hint = false} : vector<128x256xbf16>, vector<256x64xbf16>, vector<128x64xf32> -> vector<128x64xf32>
    %swap3A_1039 = arith.constant 0 : index
    %swap3A_1040 = arith.constant 6912 : index
    %swap3A_1041 = arith.constant 0 : index
    %swap3A_1042 = vector.load %arg5[%swap3A_1039, %swap3A_1040, %swap3A_1041] : memref<1x8192x64xf32, #tpu.memory_space<vmem>>, vector<1x128x64xf32>
    %swap3A_1043 = vector.shape_cast %swap3A_1042 : vector<1x128x64xf32> to vector<128x64xf32>
    %swap3A_1044 = vector.shape_cast %dot_general3A_1038 : vector<128x64xf32> to vector<1x128x64xf32>
    tpu.vector_store %arg5[%swap3A_1039, %swap3A_1040, %swap3A_1041], %swap3A_1044 {strides = array<i32>} : memref<1x8192x64xf32, #tpu.memory_space<vmem>>, vector<1x128x64xf32>,
    %slice3A_1045 = vector.extract_strided_slice %convert_element_type3A_51 {offsets = [7040, 0], sizes = [128, 64], strides = [1, 1]} : vector<8192x64xbf16> to vector<128x64xbf16>
    %slice3A_1046 = vector.extract_strided_slice %convert_element_type3A_51 {offsets = [6912, 0], sizes = [256, 64], strides = [1, 1]} : vector<8192x64xbf16> to vector<256x64xbf16>
    %slice3A_1047 = vector.extract_strided_slice %convert_element_type3A_57 {offsets = [6912, 0], sizes = [256, 64], strides = [1, 1]} : vector<8192x64xbf16> to vector<256x64xbf16>
    %dot_general3A_1048 = arith.constant dense<0.000000e+00> : vector<128x256xf32>
    %dot_general3A_1049 = tpu.matmul %slice3A_1045, %slice3A_1046, %dot_general3A_1048 {dimension_numbers = #tpu.dot_dimension_numbers<[1], [1], [0], [0], [0, 0, 1, 0], [], []>, transpose_lhs_hint = false} : vector<128x64xbf16>, vector<256x64xbf16>, vector<128x256xf32> -> vector<128x256xf32>
    %convert_element_type3A_1050 = arith.truncf %dot_general3A_1049 : vector<128x256xf32> to vector<128x256xbf16>
    %get3A_1051 = arith.constant 0 : index
    %get3A_1052 = arith.constant 0 : index
    %get3A_1053 = vector.load %arg6[%get3A_1051, %get3A_1052] : memref<128x256xbf16, #tpu.memory_space<vmem>>, vector<128x256xbf16>
    %mul3A_1054 = arith.mulf %convert_element_type3A_1050, %get3A_1053 : vector<128x256xbf16>
    %dot_general3A_1055 = arith.constant dense<0.000000e+00> : vector<128x64xf32>
    %dot_general3A_1056 = tpu.matmul %mul3A_1054, %slice3A_1047, %dot_general3A_1055 {dimension_numbers = #tpu.dot_dimension_numbers<[1], [0], [0], [1], [0, 0, 1, 1], [], []>, transpose_lhs_hint = false} : vector<128x256xbf16>, vector<256x64xbf16>, vector<128x64xf32> -> vector<128x64xf32>
    %swap3A_1057 = arith.constant 0 : index
    %swap3A_1058 = arith.constant 7040 : index
    %swap3A_1059 = arith.constant 0 : index
    %swap3A_1060 = vector.load %arg5[%swap3A_1057, %swap3A_1058, %swap3A_1059] : memref<1x8192x64xf32, #tpu.memory_space<vmem>>, vector<1x128x64xf32>
    %swap3A_1061 = vector.shape_cast %swap3A_1060 : vector<1x128x64xf32> to vector<128x64xf32>
    %swap3A_1062 = vector.shape_cast %dot_general3A_1056 : vector<128x64xf32> to vector<1x128x64xf32>
    tpu.vector_store %arg5[%swap3A_1057, %swap3A_1058, %swap3A_1059], %swap3A_1062 {strides = array<i32>} : memref<1x8192x64xf32, #tpu.memory_space<vmem>>, vector<1x128x64xf32>,
    %slice3A_1063 = vector.extract_strided_slice %convert_element_type3A_51 {offsets = [7168, 0], sizes = [128, 64], strides = [1, 1]} : vector<8192x64xbf16> to vector<128x64xbf16>
    %slice3A_1064 = vector.extract_strided_slice %convert_element_type3A_51 {offsets = [7040, 0], sizes = [256, 64], strides = [1, 1]} : vector<8192x64xbf16> to vector<256x64xbf16>
    %slice3A_1065 = vector.extract_strided_slice %convert_element_type3A_57 {offsets = [7040, 0], sizes = [256, 64], strides = [1, 1]} : vector<8192x64xbf16> to vector<256x64xbf16>
    %dot_general3A_1066 = arith.constant dense<0.000000e+00> : vector<128x256xf32>
    %dot_general3A_1067 = tpu.matmul %slice3A_1063, %slice3A_1064, %dot_general3A_1066 {dimension_numbers = #tpu.dot_dimension_numbers<[1], [1], [0], [0], [0, 0, 1, 0], [], []>, transpose_lhs_hint = false} : vector<128x64xbf16>, vector<256x64xbf16>, vector<128x256xf32> -> vector<128x256xf32>
    %convert_element_type3A_1068 = arith.truncf %dot_general3A_1067 : vector<128x256xf32> to vector<128x256xbf16>
    %get3A_1069 = arith.constant 0 : index
    %get3A_1070 = arith.constant 0 : index
    %get3A_1071 = vector.load %arg6[%get3A_1069, %get3A_1070] : memref<128x256xbf16, #tpu.memory_space<vmem>>, vector<128x256xbf16>
    %mul3A_1072 = arith.mulf %convert_element_type3A_1068, %get3A_1071 : vector<128x256xbf16>
    %dot_general3A_1073 = arith.constant dense<0.000000e+00> : vector<128x64xf32>
    %dot_general3A_1074 = tpu.matmul %mul3A_1072, %slice3A_1065, %dot_general3A_1073 {dimension_numbers = #tpu.dot_dimension_numbers<[1], [0], [0], [1], [0, 0, 1, 1], [], []>, transpose_lhs_hint = false} : vector<128x256xbf16>, vector<256x64xbf16>, vector<128x64xf32> -> vector<128x64xf32>
    %swap3A_1075 = arith.constant 0 : index
    %swap3A_1076 = arith.constant 7168 : index
    %swap3A_1077 = arith.constant 0 : index
    %swap3A_1078 = vector.load %arg5[%swap3A_1075, %swap3A_1076, %swap3A_1077] : memref<1x8192x64xf32, #tpu.memory_space<vmem>>, vector<1x128x64xf32>
    %swap3A_1079 = vector.shape_cast %swap3A_1078 : vector<1x128x64xf32> to vector<128x64xf32>
    %swap3A_1080 = vector.shape_cast %dot_general3A_1074 : vector<128x64xf32> to vector<1x128x64xf32>
    tpu.vector_store %arg5[%swap3A_1075, %swap3A_1076, %swap3A_1077], %swap3A_1080 {strides = array<i32>} : memref<1x8192x64xf32, #tpu.memory_space<vmem>>, vector<1x128x64xf32>,
    %slice3A_1081 = vector.extract_strided_slice %convert_element_type3A_51 {offsets = [7296, 0], sizes = [128, 64], strides = [1, 1]} : vector<8192x64xbf16> to vector<128x64xbf16>
    %slice3A_1082 = vector.extract_strided_slice %convert_element_type3A_51 {offsets = [7168, 0], sizes = [256, 64], strides = [1, 1]} : vector<8192x64xbf16> to vector<256x64xbf16>
    %slice3A_1083 = vector.extract_strided_slice %convert_element_type3A_57 {offsets = [7168, 0], sizes = [256, 64], strides = [1, 1]} : vector<8192x64xbf16> to vector<256x64xbf16>
    %dot_general3A_1084 = arith.constant dense<0.000000e+00> : vector<128x256xf32>
    %dot_general3A_1085 = tpu.matmul %slice3A_1081, %slice3A_1082, %dot_general3A_1084 {dimension_numbers = #tpu.dot_dimension_numbers<[1], [1], [0], [0], [0, 0, 1, 0], [], []>, transpose_lhs_hint = false} : vector<128x64xbf16>, vector<256x64xbf16>, vector<128x256xf32> -> vector<128x256xf32>
    %convert_element_type3A_1086 = arith.truncf %dot_general3A_1085 : vector<128x256xf32> to vector<128x256xbf16>
    %get3A_1087 = arith.constant 0 : index
    %get3A_1088 = arith.constant 0 : index
    %get3A_1089 = vector.load %arg6[%get3A_1087, %get3A_1088] : memref<128x256xbf16, #tpu.memory_space<vmem>>, vector<128x256xbf16>
    %mul3A_1090 = arith.mulf %convert_element_type3A_1086, %get3A_1089 : vector<128x256xbf16>
    %dot_general3A_1091 = arith.constant dense<0.000000e+00> : vector<128x64xf32>
    %dot_general3A_1092 = tpu.matmul %mul3A_1090, %slice3A_1083, %dot_general3A_1091 {dimension_numbers = #tpu.dot_dimension_numbers<[1], [0], [0], [1], [0, 0, 1, 1], [], []>, transpose_lhs_hint = false} : vector<128x256xbf16>, vector<256x64xbf16>, vector<128x64xf32> -> vector<128x64xf32>
    %swap3A_1093 = arith.constant 0 : index
    %swap3A_1094 = arith.constant 7296 : index
    %swap3A_1095 = arith.constant 0 : index
    %swap3A_1096 = vector.load %arg5[%swap3A_1093, %swap3A_1094, %swap3A_1095] : memref<1x8192x64xf32, #tpu.memory_space<vmem>>, vector<1x128x64xf32>
    %swap3A_1097 = vector.shape_cast %swap3A_1096 : vector<1x128x64xf32> to vector<128x64xf32>
    %swap3A_1098 = vector.shape_cast %dot_general3A_1092 : vector<128x64xf32> to vector<1x128x64xf32>
    tpu.vector_store %arg5[%swap3A_1093, %swap3A_1094, %swap3A_1095], %swap3A_1098 {strides = array<i32>} : memref<1x8192x64xf32, #tpu.memory_space<vmem>>, vector<1x128x64xf32>,
    %slice3A_1099 = vector.extract_strided_slice %convert_element_type3A_51 {offsets = [7424, 0], sizes = [128, 64], strides = [1, 1]} : vector<8192x64xbf16> to vector<128x64xbf16>
    %slice3A_1100 = vector.extract_strided_slice %convert_element_type3A_51 {offsets = [7296, 0], sizes = [256, 64], strides = [1, 1]} : vector<8192x64xbf16> to vector<256x64xbf16>
    %slice3A_1101 = vector.extract_strided_slice %convert_element_type3A_57 {offsets = [7296, 0], sizes = [256, 64], strides = [1, 1]} : vector<8192x64xbf16> to vector<256x64xbf16>
    %dot_general3A_1102 = arith.constant dense<0.000000e+00> : vector<128x256xf32>
    %dot_general3A_1103 = tpu.matmul %slice3A_1099, %slice3A_1100, %dot_general3A_1102 {dimension_numbers = #tpu.dot_dimension_numbers<[1], [1], [0], [0], [0, 0, 1, 0], [], []>, transpose_lhs_hint = false} : vector<128x64xbf16>, vector<256x64xbf16>, vector<128x256xf32> -> vector<128x256xf32>
    %convert_element_type3A_1104 = arith.truncf %dot_general3A_1103 : vector<128x256xf32> to vector<128x256xbf16>
    %get3A_1105 = arith.constant 0 : index
    %get3A_1106 = arith.constant 0 : index
    %get3A_1107 = vector.load %arg6[%get3A_1105, %get3A_1106] : memref<128x256xbf16, #tpu.memory_space<vmem>>, vector<128x256xbf16>
    %mul3A_1108 = arith.mulf %convert_element_type3A_1104, %get3A_1107 : vector<128x256xbf16>
    %dot_general3A_1109 = arith.constant dense<0.000000e+00> : vector<128x64xf32>
    %dot_general3A_1110 = tpu.matmul %mul3A_1108, %slice3A_1101, %dot_general3A_1109 {dimension_numbers = #tpu.dot_dimension_numbers<[1], [0], [0], [1], [0, 0, 1, 1], [], []>, transpose_lhs_hint = false} : vector<128x256xbf16>, vector<256x64xbf16>, vector<128x64xf32> -> vector<128x64xf32>
    %swap3A_1111 = arith.constant 0 : index
    %swap3A_1112 = arith.constant 7424 : index
    %swap3A_1113 = arith.constant 0 : index
    %swap3A_1114 = vector.load %arg5[%swap3A_1111, %swap3A_1112, %swap3A_1113] : memref<1x8192x64xf32, #tpu.memory_space<vmem>>, vector<1x128x64xf32>
    %swap3A_1115 = vector.shape_cast %swap3A_1114 : vector<1x128x64xf32> to vector<128x64xf32>
    %swap3A_1116 = vector.shape_cast %dot_general3A_1110 : vector<128x64xf32> to vector<1x128x64xf32>
    tpu.vector_store %arg5[%swap3A_1111, %swap3A_1112, %swap3A_1113], %swap3A_1116 {strides = array<i32>} : memref<1x8192x64xf32, #tpu.memory_space<vmem>>, vector<1x128x64xf32>,
    %slice3A_1117 = vector.extract_strided_slice %convert_element_type3A_51 {offsets = [7552, 0], sizes = [128, 64], strides = [1, 1]} : vector<8192x64xbf16> to vector<128x64xbf16>
    %slice3A_1118 = vector.extract_strided_slice %convert_element_type3A_51 {offsets = [7424, 0], sizes = [256, 64], strides = [1, 1]} : vector<8192x64xbf16> to vector<256x64xbf16>
    %slice3A_1119 = vector.extract_strided_slice %convert_element_type3A_57 {offsets = [7424, 0], sizes = [256, 64], strides = [1, 1]} : vector<8192x64xbf16> to vector<256x64xbf16>
    %dot_general3A_1120 = arith.constant dense<0.000000e+00> : vector<128x256xf32>
    %dot_general3A_1121 = tpu.matmul %slice3A_1117, %slice3A_1118, %dot_general3A_1120 {dimension_numbers = #tpu.dot_dimension_numbers<[1], [1], [0], [0], [0, 0, 1, 0], [], []>, transpose_lhs_hint = false} : vector<128x64xbf16>, vector<256x64xbf16>, vector<128x256xf32> -> vector<128x256xf32>
    %convert_element_type3A_1122 = arith.truncf %dot_general3A_1121 : vector<128x256xf32> to vector<128x256xbf16>
    %get3A_1123 = arith.constant 0 : index
    %get3A_1124 = arith.constant 0 : index
    %get3A_1125 = vector.load %arg6[%get3A_1123, %get3A_1124] : memref<128x256xbf16, #tpu.memory_space<vmem>>, vector<128x256xbf16>
    %mul3A_1126 = arith.mulf %convert_element_type3A_1122, %get3A_1125 : vector<128x256xbf16>
    %dot_general3A_1127 = arith.constant dense<0.000000e+00> : vector<128x64xf32>
    %dot_general3A_1128 = tpu.matmul %mul3A_1126, %slice3A_1119, %dot_general3A_1127 {dimension_numbers = #tpu.dot_dimension_numbers<[1], [0], [0], [1], [0, 0, 1, 1], [], []>, transpose_lhs_hint = false} : vector<128x256xbf16>, vector<256x64xbf16>, vector<128x64xf32> -> vector<128x64xf32>
    %swap3A_1129 = arith.constant 0 : index
    %swap3A_1130 = arith.constant 7552 : index
    %swap3A_1131 = arith.constant 0 : index
    %swap3A_1132 = vector.load %arg5[%swap3A_1129, %swap3A_1130, %swap3A_1131] : memref<1x8192x64xf32, #tpu.memory_space<vmem>>, vector<1x128x64xf32>
    %swap3A_1133 = vector.shape_cast %swap3A_1132 : vector<1x128x64xf32> to vector<128x64xf32>
    %swap3A_1134 = vector.shape_cast %dot_general3A_1128 : vector<128x64xf32> to vector<1x128x64xf32>
    tpu.vector_store %arg5[%swap3A_1129, %swap3A_1130, %swap3A_1131], %swap3A_1134 {strides = array<i32>} : memref<1x8192x64xf32, #tpu.memory_space<vmem>>, vector<1x128x64xf32>,
    %slice3A_1135 = vector.extract_strided_slice %convert_element_type3A_51 {offsets = [7680, 0], sizes = [128, 64], strides = [1, 1]} : vector<8192x64xbf16> to vector<128x64xbf16>
    %slice3A_1136 = vector.extract_strided_slice %convert_element_type3A_51 {offsets = [7552, 0], sizes = [256, 64], strides = [1, 1]} : vector<8192x64xbf16> to vector<256x64xbf16>
    %slice3A_1137 = vector.extract_strided_slice %convert_element_type3A_57 {offsets = [7552, 0], sizes = [256, 64], strides = [1, 1]} : vector<8192x64xbf16> to vector<256x64xbf16>
    %dot_general3A_1138 = arith.constant dense<0.000000e+00> : vector<128x256xf32>
    %dot_general3A_1139 = tpu.matmul %slice3A_1135, %slice3A_1136, %dot_general3A_1138 {dimension_numbers = #tpu.dot_dimension_numbers<[1], [1], [0], [0], [0, 0, 1, 0], [], []>, transpose_lhs_hint = false} : vector<128x64xbf16>, vector<256x64xbf16>, vector<128x256xf32> -> vector<128x256xf32>
    %convert_element_type3A_1140 = arith.truncf %dot_general3A_1139 : vector<128x256xf32> to vector<128x256xbf16>
    %get3A_1141 = arith.constant 0 : index
    %get3A_1142 = arith.constant 0 : index
    %get3A_1143 = vector.load %arg6[%get3A_1141, %get3A_1142] : memref<128x256xbf16, #tpu.memory_space<vmem>>, vector<128x256xbf16>
    %mul3A_1144 = arith.mulf %convert_element_type3A_1140, %get3A_1143 : vector<128x256xbf16>
    %dot_general3A_1145 = arith.constant dense<0.000000e+00> : vector<128x64xf32>
    %dot_general3A_1146 = tpu.matmul %mul3A_1144, %slice3A_1137, %dot_general3A_1145 {dimension_numbers = #tpu.dot_dimension_numbers<[1], [0], [0], [1], [0, 0, 1, 1], [], []>, transpose_lhs_hint = false} : vector<128x256xbf16>, vector<256x64xbf16>, vector<128x64xf32> -> vector<128x64xf32>
    %swap3A_1147 = arith.constant 0 : index
    %swap3A_1148 = arith.constant 7680 : index
    %swap3A_1149 = arith.constant 0 : index
    %swap3A_1150 = vector.load %arg5[%swap3A_1147, %swap3A_1148, %swap3A_1149] : memref<1x8192x64xf32, #tpu.memory_space<vmem>>, vector<1x128x64xf32>
    %swap3A_1151 = vector.shape_cast %swap3A_1150 : vector<1x128x64xf32> to vector<128x64xf32>
    %swap3A_1152 = vector.shape_cast %dot_general3A_1146 : vector<128x64xf32> to vector<1x128x64xf32>
    tpu.vector_store %arg5[%swap3A_1147, %swap3A_1148, %swap3A_1149], %swap3A_1152 {strides = array<i32>} : memref<1x8192x64xf32, #tpu.memory_space<vmem>>, vector<1x128x64xf32>,
    %slice3A_1153 = vector.extract_strided_slice %convert_element_type3A_51 {offsets = [7808, 0], sizes = [128, 64], strides = [1, 1]} : vector<8192x64xbf16> to vector<128x64xbf16>
    %slice3A_1154 = vector.extract_strided_slice %convert_element_type3A_51 {offsets = [7680, 0], sizes = [256, 64], strides = [1, 1]} : vector<8192x64xbf16> to vector<256x64xbf16>
    %slice3A_1155 = vector.extract_strided_slice %convert_element_type3A_57 {offsets = [7680, 0], sizes = [256, 64], strides = [1, 1]} : vector<8192x64xbf16> to vector<256x64xbf16>
    %dot_general3A_1156 = arith.constant dense<0.000000e+00> : vector<128x256xf32>
    %dot_general3A_1157 = tpu.matmul %slice3A_1153, %slice3A_1154, %dot_general3A_1156 {dimension_numbers = #tpu.dot_dimension_numbers<[1], [1], [0], [0], [0, 0, 1, 0], [], []>, transpose_lhs_hint = false} : vector<128x64xbf16>, vector<256x64xbf16>, vector<128x256xf32> -> vector<128x256xf32>
    %convert_element_type3A_1158 = arith.truncf %dot_general3A_1157 : vector<128x256xf32> to vector<128x256xbf16>
    %get3A_1159 = arith.constant 0 : index
    %get3A_1160 = arith.constant 0 : index
    %get3A_1161 = vector.load %arg6[%get3A_1159, %get3A_1160] : memref<128x256xbf16, #tpu.memory_space<vmem>>, vector<128x256xbf16>
    %mul3A_1162 = arith.mulf %convert_element_type3A_1158, %get3A_1161 : vector<128x256xbf16>
    %dot_general3A_1163 = arith.constant dense<0.000000e+00> : vector<128x64xf32>
    %dot_general3A_1164 = tpu.matmul %mul3A_1162, %slice3A_1155, %dot_general3A_1163 {dimension_numbers = #tpu.dot_dimension_numbers<[1], [0], [0], [1], [0, 0, 1, 1], [], []>, transpose_lhs_hint = false} : vector<128x256xbf16>, vector<256x64xbf16>, vector<128x64xf32> -> vector<128x64xf32>
    %swap3A_1165 = arith.constant 0 : index
    %swap3A_1166 = arith.constant 7808 : index
    %swap3A_1167 = arith.constant 0 : index
    %swap3A_1168 = vector.load %arg5[%swap3A_1165, %swap3A_1166, %swap3A_1167] : memref<1x8192x64xf32, #tpu.memory_space<vmem>>, vector<1x128x64xf32>
    %swap3A_1169 = vector.shape_cast %swap3A_1168 : vector<1x128x64xf32> to vector<128x64xf32>
    %swap3A_1170 = vector.shape_cast %dot_general3A_1164 : vector<128x64xf32> to vector<1x128x64xf32>
    tpu.vector_store %arg5[%swap3A_1165, %swap3A_1166, %swap3A_1167], %swap3A_1170 {strides = array<i32>} : memref<1x8192x64xf32, #tpu.memory_space<vmem>>, vector<1x128x64xf32>,
    %slice3A_1171 = vector.extract_strided_slice %convert_element_type3A_51 {offsets = [7936, 0], sizes = [128, 64], strides = [1, 1]} : vector<8192x64xbf16> to vector<128x64xbf16>
    %slice3A_1172 = vector.extract_strided_slice %convert_element_type3A_51 {offsets = [7808, 0], sizes = [256, 64], strides = [1, 1]} : vector<8192x64xbf16> to vector<256x64xbf16>
    %slice3A_1173 = vector.extract_strided_slice %convert_element_type3A_57 {offsets = [7808, 0], sizes = [256, 64], strides = [1, 1]} : vector<8192x64xbf16> to vector<256x64xbf16>
    %dot_general3A_1174 = arith.constant dense<0.000000e+00> : vector<128x256xf32>
    %dot_general3A_1175 = tpu.matmul %slice3A_1171, %slice3A_1172, %dot_general3A_1174 {dimension_numbers = #tpu.dot_dimension_numbers<[1], [1], [0], [0], [0, 0, 1, 0], [], []>, transpose_lhs_hint = false} : vector<128x64xbf16>, vector<256x64xbf16>, vector<128x256xf32> -> vector<128x256xf32>
    %convert_element_type3A_1176 = arith.truncf %dot_general3A_1175 : vector<128x256xf32> to vector<128x256xbf16>
    %get3A_1177 = arith.constant 0 : index
    %get3A_1178 = arith.constant 0 : index
    %get3A_1179 = vector.load %arg6[%get3A_1177, %get3A_1178] : memref<128x256xbf16, #tpu.memory_space<vmem>>, vector<128x256xbf16>
    %mul3A_1180 = arith.mulf %convert_element_type3A_1176, %get3A_1179 : vector<128x256xbf16>
    %dot_general3A_1181 = arith.constant dense<0.000000e+00> : vector<128x64xf32>
    %dot_general3A_1182 = tpu.matmul %mul3A_1180, %slice3A_1173, %dot_general3A_1181 {dimension_numbers = #tpu.dot_dimension_numbers<[1], [0], [0], [1], [0, 0, 1, 1], [], []>, transpose_lhs_hint = false} : vector<128x256xbf16>, vector<256x64xbf16>, vector<128x64xf32> -> vector<128x64xf32>
    %swap3A_1183 = arith.constant 0 : index
    %swap3A_1184 = arith.constant 7936 : index
    %swap3A_1185 = arith.constant 0 : index
    %swap3A_1186 = vector.load %arg5[%swap3A_1183, %swap3A_1184, %swap3A_1185] : memref<1x8192x64xf32, #tpu.memory_space<vmem>>, vector<1x128x64xf32>
    %swap3A_1187 = vector.shape_cast %swap3A_1186 : vector<1x128x64xf32> to vector<128x64xf32>
    %swap3A_1188 = vector.shape_cast %dot_general3A_1182 : vector<128x64xf32> to vector<1x128x64xf32>
    tpu.vector_store %arg5[%swap3A_1183, %swap3A_1184, %swap3A_1185], %swap3A_1188 {strides = array<i32>} : memref<1x8192x64xf32, #tpu.memory_space<vmem>>, vector<1x128x64xf32>,
    %slice3A_1189 = vector.extract_strided_slice %convert_element_type3A_51 {offsets = [8064, 0], sizes = [128, 64], strides = [1, 1]} : vector<8192x64xbf16> to vector<128x64xbf16>
    %slice3A_1190 = vector.extract_strided_slice %convert_element_type3A_51 {offsets = [7936, 0], sizes = [256, 64], strides = [1, 1]} : vector<8192x64xbf16> to vector<256x64xbf16>
    %slice3A_1191 = vector.extract_strided_slice %convert_element_type3A_57 {offsets = [7936, 0], sizes = [256, 64], strides = [1, 1]} : vector<8192x64xbf16> to vector<256x64xbf16>
    %dot_general3A_1192 = arith.constant dense<0.000000e+00> : vector<128x256xf32>
    %dot_general3A_1193 = tpu.matmul %slice3A_1189, %slice3A_1190, %dot_general3A_1192 {dimension_numbers = #tpu.dot_dimension_numbers<[1], [1], [0], [0], [0, 0, 1, 0], [], []>, transpose_lhs_hint = false} : vector<128x64xbf16>, vector<256x64xbf16>, vector<128x256xf32> -> vector<128x256xf32>
    %convert_element_type3A_1194 = arith.truncf %dot_general3A_1193 : vector<128x256xf32> to vector<128x256xbf16>
    %get3A_1195 = arith.constant 0 : index
    %get3A_1196 = arith.constant 0 : index
    %get3A_1197 = vector.load %arg6[%get3A_1195, %get3A_1196] : memref<128x256xbf16, #tpu.memory_space<vmem>>, vector<128x256xbf16>
    %mul3A_1198 = arith.mulf %convert_element_type3A_1194, %get3A_1197 : vector<128x256xbf16>
    %dot_general3A_1199 = arith.constant dense<0.000000e+00> : vector<128x64xf32>
    %dot_general3A_1200 = tpu.matmul %mul3A_1198, %slice3A_1191, %dot_general3A_1199 {dimension_numbers = #tpu.dot_dimension_numbers<[1], [0], [0], [1], [0, 0, 1, 1], [], []>, transpose_lhs_hint = false} : vector<128x256xbf16>, vector<256x64xbf16>, vector<128x64xf32> -> vector<128x64xf32>
    %swap3A_1201 = arith.constant 0 : index
    %swap3A_1202 = arith.constant 8064 : index
    %swap3A_1203 = arith.constant 0 : index
    %swap3A_1204 = vector.load %arg5[%swap3A_1201, %swap3A_1202, %swap3A_1203] : memref<1x8192x64xf32, #tpu.memory_space<vmem>>, vector<1x128x64xf32>
    %swap3A_1205 = vector.shape_cast %swap3A_1204 : vector<1x128x64xf32> to vector<128x64xf32>
    %swap3A_1206 = vector.shape_cast %dot_general3A_1200 : vector<128x64xf32> to vector<1x128x64xf32>
    tpu.vector_store %arg5[%swap3A_1201, %swap3A_1202, %swap3A_1203], %swap3A_1206 {strides = array<i32>} : memref<1x8192x64xf32, #tpu.memory_space<vmem>>, vector<1x128x64xf32>,
    return
  }
  func.func @transform_0(%arg0: i32) -> (i32, i32, i32) {
    %c0_i32 = arith.constant 0 : i32
    %c0_i32_0 = arith.constant 0 : i32
    %c0_i32_1 = arith.constant 0 : i32
    return %arg0, %c0_i32, %c0_i32_0 : i32, i32, i32
  }
  func.func @transform_1(%arg0: i32) -> (i32, i32, i32) {
    %c0_i32 = arith.constant 0 : i32
    %c0_i32_0 = arith.constant 0 : i32
    %c0_i32_1 = arith.constant 0 : i32
    return %arg0, %c0_i32, %c0_i32_0 : i32, i32, i32
  }
  func.func @transform_2(%arg0: i32) -> (i32, i32) {
    %c0_i32 = arith.constant 0 : i32
    %c0_i32_0 = arith.constant 0 : i32
    %c0_i32_1 = arith.constant 0 : i32
    return %c0_i32, %c0_i32_0 : i32, i32
  }
  func.func @transform_3(%arg0: i32) -> (i32, i32) {
    %c0_i32 = arith.constant 0 : i32
    %c0_i32_0 = arith.constant 0 : i32
    %c0_i32_1 = arith.constant 0 : i32
    return %c0_i32, %c0_i32_0 : i32, i32
  }
  func.func @transform_4(%arg0: i32) -> (i32, i32, i32) {
    %c0_i32 = arith.constant 0 : i32
    %c0_i32_0 = arith.constant 0 : i32
    %c0_i32_1 = arith.constant 0 : i32
    return %arg0, %c0_i32, %c0_i32_0 : i32, i32, i32
  }
}

</mosaic_0001>

<sc_bundles>
// kernel: sparse-core-data-format-call.cloned.1.call-start
scs
called_computation_lowered:
.L_overlay_start_0:
0x0: {  	s2 =	sld [smem:$0x3FD9]  }
0x1: {  	s3 =	sld [smem:$0x3FFE];
	_ =	sdelay $0x1  }
0x2: {  	s1 =	srdreg.scid  }
0x3: {  	s0 =	sand.u32 $0x1, s1  }
0x4: {  	s18 =	sshll.u32 s0, $0xA;
	s2 =	sadd.s32 s3, s2  }
0x5: {  	s2 =	sadd.s32 s2, s18  }
0x6: {  	[smem:$0x3FC6] =	sst s2  }
0x7: {  	_ = 	snop  }
0x8: {  	s2 =	sld [smem:$0x3FD0];
	(tm) =	ssettm $0x1  }
0x9: {  	s19 =	sld [smem:$0x3FFB];
	_ =	sdelay $0x3  }
0xa: {  	_ =	strace s19  }
0xb: {  	s3 =	sld [smem:$0x3FFC];
	_ =	sdelay $0x3  }
0xc: {  	_ =	strace s3  }
0xd: {  	s3 =	sld [smem:$0x3FFD];
	_ =	sdelay $0x3  }
0xe: {  	_ =	strace s3  }
0xf: {  	_ =	strace $0x8FFFFFFF  }
0x10: {  	s20 =	sld [smem:$0x3FDB];
	_ =	sdelay $0x1  }
0x11: {  	s4 =	simm.s32 $_scs_section_size  }
0x12: {  	s5 =	simm.s32 $_size__tile_overlayer_lowered;
	s6 =	simm.s32 $_tile_overlayer_lowered  }
0x13: {  	s23 =	simm.s32 $0x1BFF;
	s22 =	sshll.u32 s6, $0x1;
	s3 =	sadd.s32 s4, s20  }
0x14: {  	s7 =	simm.s32 $0x0;
	s21 =	sshll.u32 s5, $0x1;
	s5 =	sadd.s32 s22, s3  }
0x15: {  	[timem:s7], [sflag:s23] =	dma.local [hbm:s5], s21  }
0x16: {  	_ =	swait.ge [sflag:s23], s21  }
0x17: {  	s4 =	ssub.s32 $0x0, s21;
	[sflag:s23] =	ssyncset.done $0x0  }
0x18: {  	[sflag:s23] =	ssyncadd.s32 s4;
	_ =	sdelay $0x1  }
0x19: {  	s24 =	simm.s32 $0x1B8B  }
0x1a: {  	_ =	swait.ge [sflag:s24], $0x1  }
0x1b: {  	[sflag:s24] =	ssyncset.done $0x0  }
0x1c: {  	s26 =	simm.s32 $0x1B8E;
	s25 =	sld [smem:$0x3FFE];
	[sflag:s24] =	ssyncadd.s32 $0xFFFFFFFF  }
0x1d: {  	s27 =	simm.s32 $execute0_lowered;
	[smem:$0x3FD2] =	sst s26  }
0x1e: {  	s5 =	sshll.u32 s27, $0x1;
	_ =	strace $0x80000046;
	[dreg:$0x1] =	wrdreg $0xFFFFFFFF  }
0x1f: {  	s28 =	simm.s32 $_size_execute0_lowered;
	s3 =	sadd.s32 s3, s5;
	[dreg:$0x0] =	wrdreg $0x0  }
0x20: {  	s5 =	sshll.u32 s28, $0x1;
	[dreg:$0x2] =	wrdreg s3  }
0x21: {  	[dreg:$0x3] =	wrdreg s5  }
0x22: {  	[dreg:$0x4] =	wrdreg $0xC0  }
0x23: {  	_ =	task [dreg:s7], $0x5FFFF  }
0x24: {  	[dreg:$0x1] =	wrdreg $0xFFFFFFFF  }
0x25: {  	[dreg:$0x0] =	wrdreg $0x60  }
0x26: {  	[dreg:$0x2] =	wrdreg s25  }
0x27: {  	[dreg:$0x3] =	wrdreg s2  }
0x28: {  	[dreg:$0x4] =	wrdreg $0x9  }
0x29: {  	_ =	task.clear_ibuf [dreg:s7], $0x5FFFF;
	_ =	strace $0x90000046  }
0x2a: {  	s29 =	simm.s32 $0x9;
	_ =	strace $0x80000048  }
0x2b: {  	_ =	swait.ge [sflag:s29], $0x1  }
0x2c: {  	[sflag:s29] =	ssyncadd.s32 $0xFFFFFFFF  }
0x2d: {  	_ =	strace $0x90000048  }
0x2e: {  	_ =	sfence  }
0x2f: {  	s30 =	sld [smem:$0x0];
	_ =	sdelay $0x2  }
0x30: {  	s31 =	sshll.u32 s1, $0xD;
	s1 =	sshrl.u32 s1, $0x2  }
0x31: {  	s3 =	sand.u32 $0x4000, s31;
	s1 =	sadd.s32 s1, s30  }
0x32: {  	s0 =	sor.u32 s3, s0;
	s1 =	sshll.u32 s1, $0x11  }
0x33: {  	s0 =	sor.u32 s1, s0  }
0x34: {  	s0 =	sadd.s32 $0x8F2B, s0  }
0x35: {  	[sflag:s0] =	ssyncadd.remote.s32 $0x1  }
0x36: {  	_ =	sfence.sel $0xFFFF  }
0x37: {  	[dreg:$0x0] =	wrdreg $0xFFFFFFFF;
	(pc) =	sbr.abs _section_cstart, $3  }
0x38: {  	[dreg:$0x1] =	wrdreg $0xFFFFFFFF  }
0x39: {  	_ =	task.clear_ibuf [dreg:s7], $0x2FFFF;
	_ =	strace $0x9FFFFFFF  }
0x3a: {  	(tm) =	ssettm $0x7FFFFFFF  }
0x3b: {  	_ =	shalt  }
tec
execute0_lowered:
.L_overlay_start_1:
0x0: {  	(tag) =	ssettag $0x1  }
0x1: {  	s9 =	rddreg [dreg:$0x0]  }
0x2: {  	s1 =	rddreg [dreg:$0x1];
	s0 =	stileid.u32  }
0x3: {  	s4 =	srdreg.scid;
	s31 =	simm.s32 $0x2;
	s16 =	simm.s32 $0x0  }
0x4: {  	s11 =	simm.s32 $0x10000;
	s17 =	simm.s32 $0x0;
	s18 =	simm.s32 $0x0  }
0x5: {  	s15 =	simm.s32 $0x0;
	s2 =	sand.u32 $0x1, s0;
	s3 =	sand.u32 $0xE, s0  }
0x6: {  	s4 =	sshll.u32 s4, $0x7;
	s5 =	ssub.s32 $0x2, s2;
	s6 =	ssub.s32 $0x10, s3  }
0x7: {  	s4 =	sand.u32 $0x80, s4;
	s13 =	smov.u32 s3;
	s8 =	sand.u32 $0xE, s6  }
0x8: {  	s7 =	sshrl.u32 s5, $0x1;
	p0 =	sne.s32 s8, $0x0;
	s8 =	simm.s32 $0x1  }
0x9: {  	s5 =	sand.u32 $0x1, s5;
	s6 =	sshrl.u32 s6, $0x4;
	s8 =	simm.s32 @!p0 $0x0  }
0xa: {  	s10 =	ssub.s32 $0x2000, s4;
	s5 =	sadd.s32 s5, s7;
	s6 =	sadd.s32 s8, s6  }
0xb: {  	s14 =	smov.u32 s2;
	s28 =	sshrl.u32 s10, $0x7;
	s30 =	smul.u32 s5, s6  }
.Ltmp0:
0xc: {  	s29 =	sshrl.u32 s10, $0x8;
	s7 =	sand.u32 $0x1, s28;
	(pc) =	sbr.rel .LBB1_1-.Ltmp0, $4  }
0xd: {  	s12 =	smov.u32 s4;
	s7 =	sadd.s32 s29, s7;
	s5 =	rddreg [dreg:$0x2]  }
0xe: {  	_ =	strace $0x80000047;
	s6 =	simm.s32 $0x1;
	s7 =	smul.u32 s7, s30  }
0xf: {  	p0 =	por $0x0, $0x0;
	s8 =	sadd.s32 $0x800800, s9;
	[sflag:s6] =	ssyncpa.u1 $0x0  }
0x10: {  	s9 =	sadd.s32 $0x820800, s9;
	[sflag:s31] =	ssyncpa.u1 $0x0;
	s10 =	sadd.s32 $0x1, s7  }
.LBB1_7:
0x11: {  	s19 =	sadd.s32 $0x100, s12  }
0x12: {  	s16 =	sadd.s32 $0x10, s13;
	s20 =	smov.u32 s13;
	p2 =	sgt.s32 s19, $0x1FFF  }
0x13: {  	s20 =	smov.u32 @p2 s16  }
0x14: {  	s22 =	smov.u32 s14;
	s16 =	sadd.s32 $0x2, s14;
	p3 =	sgt.s32 s20, $0xF  }
0x15: {  	s22 =	smov.u32 @p3 s16  }
0x16: {  	s19 =	smov.u32 @p2 s4;
	p2 =	sgt.s32 s22, $0x1  }
0x17: {  	p1 =	slt.u32 s15, $0x2;
	s22 =	smov.u32 @p2 s2;
	p2 =	sne.s32 s15, s10  }
.Ltmp1:
0x18: {  	s21 =	simm.s32 @!p1 $0x2;
	(pc) =	sbr.rel @!p2 .LBB1_8-.Ltmp1, $4  }
0x19: {  	s17 =	smov.u32 s13;
	s18 =	smov.u32 s14;
	_ =	swait.ge @!p1 [sflag:s21], $0x4000  }
0x1a: {  	p0 =	por !p0, !p0;
	[sflag:s21] =	ssyncset.done @!p1 $0x0;
	s20 =	smov.u32 @p3 s3  }
0x1b: {  	s16 =	smov.u32 s12;
	[sflag:s21] =	ssyncadd.s32 @!p1 $0xFFFFC000;
	s12 =	smov.u32 s19  }
0x1c: {  	s13 =	smov.u32 s20;
	s15 =	sadd.s32 $0x1, s15;
	s14 =	smov.u32 s22  }
.LBB1_1:
0x1d: {  	p1 =	sge.u32 s15, s7  }
0x1e: {  	s19 =	sxor.u32 @!p1 $0xFFFFFFFF, s15;
	s20 =	sshll.u32 @!p1 s14, $0x15  }
0x1f: {  	s21 =	sshll.u32 @!p1 s13, $0x11;
	s23 =	sshll.u32 @!p1 s12, $0x4;
	s24 =	simm.s32 @!p1 $0x40  }
0x20: {  	s25 =	simm.s32 @!p1 $0x80;
	s19 =	sshll.u32 @!p1 s19, $0xE;
	s22 =	sadd.s32 @!p1 s20, s21  }
0x21: {  	s23 =	sand.u32 @!p1 $0x1FFF0, s23;
	s20 =	sadd.s32 @!p1 s20, s9;
	s22 =	sadd.s32 @!p1 s8, s22  }
0x22: {  	s19 =	sand.u32 @!p1 $0x4000, s19;
	s20 =	sadd.s32 @!p1 s21, s20;
	s22 =	sadd.s32 @!p1 s23, s22  }
0x23: {  	[tilespmem:s19], [sflag:$0x1] =	stream.strided.gather @!p1 [hbm4b:s22+s24], $0x2000, s25, s24, $0x38;
	[tilespmem:$0x10100] =	vst v63  }
0x24: {  	s31 =	sadd.s32 $0xFFFFFFFF, s15;
	s20 =	sadd.s32 @!p1 s23, s20;
	s19 =	sor.u32 @!p1 $0x2000, s19  }
0x25: {  	[tilespmem:s19], [sflag:$0x1] =	stream.strided.gather @!p1 [hbm4b:s20+s24], $0x2000, s25, s24, $0x38;
	[tilespmem:$0x10100] =	vst v63  }
0x26: {  	p1 =	sge.u32 s31, s7  }
.Ltmp2:
0x27: {  	_ = 	snop;
	(pc) =	sbr.rel @p1 .LBB1_7-.Ltmp2, $1  }
0x28: {  	_ =	sdelay $0x3  }
0x29: {  	s19 =	simm.s32 $0x1;
	s21 =	sand.u32 $0x1, s15  }
0x2a: {  	_ =	swait.ge [sflag:s6], $0x4000;
	s19 =	simm.s32 @!p0 $0x0;
	s21 =	smul.u32 $0x10200, s21  }
0x2b: {  	p2 =	por $0x1, $0x1;
	[sflag:s6] =	ssyncset.done $0x0;
	s20 =	smul.u32 $0x10200, s19  }
0x2c: {  	s22 =	sshll.u32 s19, $0x10;
	[sflag:s6] =	ssyncadd.s32 $0xFFFFC000;
	s30 =	sshrl.u32 s21, $0x2  }
0x2d: {  	s31 =	sshrl.u32 s22, $0x2;
	s22 =	simm.s32 $0x0;
	s20 =	sshrl.u32 s20, $0x2  }
0x2e: {  	s19 =	sor.u32 $0x8000, s30;
	s21 =	sadd.s32 $0x20, s31;
	s20 =	sor.u32 $0x8000, s20  }
.LBB1_3:
0x2f: {  	s23 =	sshll.u32 s22, $0xD  }
0x30: {  	s23 =	sand.u32 $0x3FFFE000, s23  }
0x31: {  	s25 =	sadd.s32 s23, s21  }
0x32: {  	s31 =	smul.u32 $0x8100, s22;
	v3 =	vld [tilespmem:s25+$0x10]  }
0x33: {  	v1 =	vld [tilespmem:s25+$0xFFFFFFF0]  }
0x34: {  	s22 =	sshra.s32 s31, $0x2;
	v0 =	vld [tilespmem:s25+$0x0]  }
0x35: {  	s22 =	sadd.s32 s22, s20;
	v2 =	vld [tilespmem:s25+$0xFFFFFFE0]  }
0x36: {  	s23 =	sadd.s32 $0x0, s22  }
0x37: {  	p1 =	por p2, p2;
	s24 =	simm.s32 $0x4;
	s25 =	sadd.s32 $0x40, s25;
	[tilespmem:s23+$0x1830 ss:$0x81] =	vst.msk $0xffff, v3  }
.LBB1_4:
0x38: {  	v3 =	vld [tilespmem:s25+$0x10];
	p2 =	sne.s32 s24, $0x1FC;
	[tilespmem:s23+$0x810 ss:$0x81] =	vst.msk $0xffff, v1;
	s26 =	smov.u32 s24;
	s24 =	sadd.s32 $0x4, s24  }
.Ltmp3:
0x39: {  	v1 =	vld [tilespmem:s25+$0xFFFFFFF0];
	[tilespmem:s23+$0x1020 ss:$0x81] =	vst.msk $0xffff, v0;
	(pc) =	sbr.rel @p2 .LBB1_4-.Ltmp3, $4  }
0x3a: {  	v0 =	vld [tilespmem:s25+$0x0];
	[tilespmem:s23+$0x0 ss:$0x81] =	vst.msk $0xffff, v2  }
0x3b: {  	s23 =	sshra.s32 s26, $0x2;
	v2 =	vld [tilespmem:s25+$0xFFFFFFE0]  }
0x3c: {  	s23 =	sadd.s32 s23, s22  }
0x3d: {  	s25 =	sadd.s32 $0x40, s25;
	[tilespmem:s23+$0x1830 ss:$0x81] =	vst.msk $0xffff, v3  }
.Ltmp4:
0x3e: {  	(pc) =	sbr.rel @p1 .LBB1_3-.Ltmp4, $4  }
0x3f: {  	_ = 	snop  }
0x40: {  	[tilespmem:s23+$0x810 ss:$0x81] =	vst.msk $0xffff, v1  }
0x41: {  	[tilespmem:s23+$0x1020 ss:$0x81] =	vst.msk $0xffff, v0  }
0x42: {  	s22 =	simm.s32 $0x1;
	p2 =	por $0x0, $0x0;
	[tilespmem:s23+$0x0 ss:$0x81] =	vst.msk $0xffff, v2  }
0x43: {  	s20 =	sshll.u32 s16, $0x3;
	s21 =	sand.u32 $0x78, s16  }
0x44: {  	s18 =	sshll.u32 s18, $0x14;
	s17 =	sshll.u32 s17, $0x10;
	s29 =	sand.u32 $0xFC00, s16  }
.Ltmp5:
0x45: {  	s20 =	sand.u32 $0x1C00, s20;
	s18 =	sadd.s32 s1, s18;
	(pc) =	sbr.rel .LBB1_7-.Ltmp5, $4  }
0x46: {  	s30 =	sand.u32 $0x7, s16;
	s20 =	sor.u32 s21, s20;
	s17 =	sadd.s32 s17, s18  }
0x47: {  	s16 =	sshll.u32 s30, $0x12;
	s31 =	sshrl.u32 s20, $0x3;
	s17 =	sadd.s32 s29, s17  }
0x48: {  	s16 =	sor.u32 $0x400, s16;
	s17 =	sadd.s32 s31, s17  }
0x49: {  	[hbm4b:s17+s16] =	stream.strided.scatter [tilespmem:s19], [sflag:$0x2], $0x4000, s11, s16, $0x20;
	[tilespmem:$0x10100] =	vst v63  }
.LBB1_8:
0x4a: {  	_ =	sfence.sel $0x180000  }
0x4b: {  	s1 =	simm.s32 $0x1;
	[bflag:$0x0] =	sbarrier.arrive $0xFFFF  }
0x4c: {  	s31 =	simm.s32 $0x2;
	[sflag:s1] =	ssyncpa.u1 $0x1  }
0x4d: {  	[sflag:s31] =	ssyncpa.u1 $0x1  }
0x4e: {  	p0 =	sne.s32 s0, $0x0;
	_ =	strace $0x90000047  }
0x4f: {  	s0 =	sadd.s32 @!p0 $0x100000, s5;
	[bflag:$0x2] =	sbarrier.arrive $0xFFFF  }
0x50: {  	[sflag:s0] =	ssyncadd.tile.s32 @!p0 $0x1;
	_ =	shalt  }
.Lfunc_end1:
_tile_overlayer_lowered:
.L_overlay_start_2:
0x51: {  	(tag) =	ssettag $0x2  }
0x52: {  	s0 =	rddreg [dreg:$0x0];
	s2 =	stileid.u32  }
0x53: {  	s1 =	rddreg [dreg:$0x1];
	p0 =	sne.s32 s2, $0x0  }
0x54: {  	s3 =	rddreg [dreg:$0x2];
	[bflag:$0x3] =	sbarrier.arrive $0xFFFF;
	s2 =	simm.s32 @!p0 $0x1C01  }
0x55: {  	[timem:s3], [sflag:s2] =	dma.local @!p0 [hbm:s0], s1  }
0x56: {  	s0 =	simm.s32 @!p0 $0x1  }
0x57: {  	_ =	swait.ge @!p0 [sflag:s0], s1  }
0x58: {  	s1 =	ssub.s32 @!p0 $0x0, s1;
	[sflag:s0] =	ssyncset.done @!p0 $0x0  }
0x59: {  	[sflag:s0] =	ssyncadd.s32 @!p0 s1  }
0x5a: {  	[bflag:$0x3] =	sbarrier.arrive $0xFFFF  }
0x5b: {  	_ =	shalt  }

</sc_bundles>
